<compile_context>
chip_gen: v7x
topology: tpu7x:2x2x1
jax: 0.10.2.dev20260603
libtpu: 0.0.44.dev20260713+nightly
codegen_flags: <defaults>
</compile_context>

<pallas_src>
import jax
import jax.numpy as jnp
from jax import lax
from jax.experimental import pallas as pl
from jax.experimental.pallas import tpu as pltpu
from jax.experimental.pallas import tpu_sc as plsc

T, D, E, K = 4096, 768, 8, 2
NG = E * E
NPAIR = (E * (E - 1)) // 2
BM = 64
NP = T + NPAIR * BM
NBLK = NP // BM
NC, NS = 2, 16
NW = NC * NS
TPW = T // NW

def _sc_mesh():
    return plsc.VectorSubcoreMesh(
        core_axis_name="c", subcore_axis_name="s",
        num_cores=NC, num_subcores=NS)


def _router_body(x_ref, wg_ref, bg_ref, pos_ref, gv_ref, blk_ref):
    xb = x_ref[...]
    logits = jnp.dot(xb, wg_ref[...], preferred_element_type=jnp.float32)
    logits = logits + bg_ref[...]
    m = jnp.max(logits, axis=-1, keepdims=True)
    p = jnp.exp(logits - m)
    p = p / jnp.sum(p, axis=-1, keepdims=True)

    iota = lax.broadcasted_iota(jnp.int32, (T, E), 1)
    v0 = jnp.max(p, axis=-1, keepdims=True)
    i0 = jnp.min(jnp.where(p >= v0, iota, E), axis=-1, keepdims=True)
    sel0 = iota == i0
    p2 = jnp.where(sel0, -jnp.inf, p)
    v1 = jnp.max(p2, axis=-1, keepdims=True)
    i1 = jnp.min(jnp.where(p2 >= v1, iota, E), axis=-1, keepdims=True)

    emin = jnp.minimum(i0, i1)
    emax = jnp.maximum(i0, i1)
    ga = jnp.where(i0 < i1, v0, v1)
    gb = jnp.where(i0 < i1, v1, v0)
    gid = emin * E + emax
    iota_g = lax.broadcasted_iota(jnp.int32, (T, NG), 1)
    O = (iota_g == gid).astype(jnp.float32)

    CB = 512
    r_i = lax.broadcasted_iota(jnp.int32, (CB, CB), 0)
    c_i = lax.broadcasted_iota(jnp.int32, (CB, CB), 1)
    Ls = (c_i < r_i).astype(jnp.float32)
    running = jnp.zeros((1, NG), jnp.float32)
    rank_chunks = []
    for i in range(T // CB):
        ch = O[i * CB:(i + 1) * CB]
        rank_chunks.append(
            jnp.dot(Ls, ch, preferred_element_type=jnp.float32) + running)
        running = running + jnp.sum(ch, axis=0, keepdims=True)
    counts = running

    nb = (counts.astype(jnp.int32) + (BM - 1)) // BM
    nbf = nb.astype(jnp.float32)
    g_r = lax.broadcasted_iota(jnp.int32, (NG, NG), 0)
    g_c = lax.broadcasted_iota(jnp.int32, (NG, NG), 1)
    Lg = (g_r < g_c).astype(jnp.float32)
    bstart = jnp.dot(nbf, Lg, preferred_element_type=jnp.float32)
    base = bstart * BM

    I512 = (r_i == c_i).astype(jnp.float32)
    zpad7 = jnp.zeros((CB, 7), jnp.float32)
    zpad6 = jnp.zeros((CB, 6), jnp.float32)
    dn = (((0,), (0,)), ((), ()))
    for i in range(T // CB):
        sl = slice(i * CB, (i + 1) * CB)
        pc = jnp.sum(O[sl] * (rank_chunks[i] + base), axis=1, keepdims=True)
        Mp = jnp.concatenate([pc, zpad7], axis=1)
        Mg = jnp.concatenate([ga[sl], gb[sl], zpad6], axis=1)
        pT = lax.dot_general(Mp, I512, dn, preferred_element_type=jnp.float32,
                             precision=lax.Precision.HIGHEST)
        gT = lax.dot_general(Mg, I512, dn, preferred_element_type=jnp.float32,
                             precision=lax.Precision.HIGHEST)
        pos_ref[:, sl] = pT.astype(jnp.int32)
        gv_ref[:, sl] = gT

    bend = bstart + nbf
    bi = lax.broadcasted_iota(jnp.int32, (NBLK, NG), 0).astype(jnp.float32)
    gidx = jnp.sum((bi >= bend).astype(jnp.float32), axis=1, keepdims=True)
    gidx = jnp.minimum(gidx, NG - 1).astype(jnp.int32)
    blk_ref[:, 0:1] = gidx // E
    blk_ref[:, 1:2] = gidx - (gidx // E) * E


def _router(x, Wg, bg):
    return pl.pallas_call(
        _router_body,
        out_shape=[
            jax.ShapeDtypeStruct((8, T), jnp.int32),
            jax.ShapeDtypeStruct((8, T), jnp.float32),
            jax.ShapeDtypeStruct((NBLK, 8), jnp.int32),
        ],
    )(x, Wg, bg.reshape(1, E))


def _dispatch_body(x_hbm, pos_hbm, gv_hbm, xs_hbm, gs_hbm,
                   pidx, xbuf, gab, gbb, grows, sem):
    wid = lax.axis_index("s") * NC + lax.axis_index("c")
    i16 = lax.iota(jnp.int32, 16)
    zf = jnp.zeros((16,), jnp.float32)
    t0 = wid * TPW
    pltpu.sync_copy(pos_hbm.at[0, pl.ds(t0, TPW)], pidx)
    pltpu.sync_copy(x_hbm.at[pl.ds(t0, TPW), :], xbuf)
    pltpu.sync_copy(gv_hbm.at[0, pl.ds(t0, TPW)], gab)
    pltpu.sync_copy(gv_hbm.at[1, pl.ds(t0, TPW)], gbb)
    ca = pltpu.async_copy(xbuf, xs_hbm.at[pidx], sem)

    def grp_body(m, _):
        ga16 = gab[pl.ds(m * 16, 16)]
        gb16 = gbb[pl.ds(m * 16, 16)]
        for r in range(16):
            v = jnp.where(i16 == 0, zf + ga16[r],
                          jnp.where(i16 == 1, zf + gb16[r], 0.0))
            grows[m * 16 + r, pl.ds(0, 16)] = v
        return 0

    lax.fori_loop(0, TPW // 16, grp_body, 0)
    cb = pltpu.async_copy(grows, gs_hbm.at[pidx], sem)
    ca.wait()
    cb.wait()


def _gemm_body(blk_ref, xs_ref, we_ref, be_ref, gs_ref, ys_ref, webf):
    i = pl.program_id(0)

    @pl.when(i == 0)
    def _():
        webf[...] = we_ref[...].astype(jnp.bfloat16)

    a = blk_ref[i, 0]
    b = blk_ref[i, 1]
    xsb = xs_ref[...].astype(jnp.bfloat16)
    ya = jnp.dot(xsb, webf[a], preferred_element_type=jnp.float32)
    yb = jnp.dot(xsb, webf[b], preferred_element_type=jnp.float32)
    ys_ref[...] = (gs_ref[:, 0:1] * (ya + be_ref[a])
                   + gs_ref[:, 1:2] * (yb + be_ref[b]))


def _gemm(blk8, xs, We, be, gs):
    grid_spec = pltpu.PrefetchScalarGridSpec(
        num_scalar_prefetch=1,
        grid=(NBLK,),
        in_specs=[
            pl.BlockSpec((BM, D), lambda i, blk: (i, 0)),
            pl.BlockSpec((E, D, D), lambda i, blk: (0, 0, 0)),
            pl.BlockSpec((E, D), lambda i, blk: (0, 0)),
            pl.BlockSpec((BM, 128), lambda i, blk: (i, 0)),
        ],
        out_specs=pl.BlockSpec((BM, D), lambda i, blk: (i, 0)),
        scratch_shapes=[pltpu.VMEM((E, D, D), jnp.bfloat16)],
    )
    return pl.pallas_call(
        _gemm_body,
        grid_spec=grid_spec,
        out_shape=jax.ShapeDtypeStruct((NP, D), jnp.float32),
    )(blk8, xs, We, be, gs)


def _combine_body(ys_hbm, pos_hbm, out_hbm, pidx, buf, sem):
    wid = lax.axis_index("s") * NC + lax.axis_index("c")
    t0 = wid * TPW
    pltpu.sync_copy(pos_hbm.at[0, pl.ds(t0, TPW)], pidx)
    pltpu.async_copy(ys_hbm.at[pidx], buf, sem).wait()
    pltpu.sync_copy(buf, out_hbm.at[pl.ds(t0, TPW), :])


def kernel(x, Wg, bg, We, be):
    dispatch = pl.kernel(
        _dispatch_body,
        out_type=[
            jax.ShapeDtypeStruct((NP, D), jnp.float32),
            jax.ShapeDtypeStruct((NP, 128), jnp.float32),
        ],
        mesh=_sc_mesh(),
        scratch_types=[
            pltpu.VMEM((TPW,), jnp.int32),
            pltpu.VMEM((TPW, D), jnp.float32),
            pltpu.VMEM((TPW,), jnp.float32),
            pltpu.VMEM((TPW,), jnp.float32),
            pltpu.VMEM((TPW, 128), jnp.float32),
            pltpu.SemaphoreType.DMA,
        ],
    )
    combine = pl.kernel(
        _combine_body,
        out_type=jax.ShapeDtypeStruct((T, D), jnp.float32),
        mesh=_sc_mesh(),
        scratch_types=[
            pltpu.VMEM((TPW,), jnp.int32),
            pltpu.VMEM((TPW, D), jnp.float32),
            pltpu.SemaphoreType.DMA,
        ],
    )
    posT, gvT, blk8 = _router(x, Wg, bg)
    xs, gs = dispatch(x, posT, gvT)
    ys = _gemm(blk8, xs, We, be, gs)
    return combine(ys, posT)

# --- scband reference (transcript-rebuilt; emitter-appended) ---
"""Pipeline reference for scband-mo-elayer-63848983823107 (READ-ONLY COPY).

The authoritative reference and input builder live on the scoring server;
editing this copy changes nothing except your own understanding.
"""

import jax, jax.numpy as jnp
import numpy as np

T = 4096
D = 768
E = 8
K = 2


def setup_inputs(seed: int = 0) -> dict:
    key = jax.random.key(seed)
    k1, k2, k3 = jax.random.split(key, 3)
    x = jax.random.normal(k1, (T, D), dtype=jnp.float32)
    # gating network: single linear router d_model -> num_experts
    Wg = jax.random.normal(k2, (D, E), dtype=jnp.float32) * 0.02
    bg = jnp.zeros((E,), dtype=jnp.float32)
    # experts: each expert is a Linear(d_model, d_model)
    We = jax.random.normal(k3, (E, D, D), dtype=jnp.float32) * 0.02
    be = jnp.zeros((E, D), dtype=jnp.float32)
    return {"x": x, "Wg": Wg, "bg": bg, "We": We, "be": be}


def reference(x, Wg, bg, We, be):
    # gating: logits -> softmax -> top-k (vals, idx)
    logits = x @ Wg + bg
    probs = jax.nn.softmax(logits, axis=-1)
    topk_vals, topk_idx = jax.lax.top_k(probs, K)  # [T, K], [T, K]
    # compute every expert's output for every token (faithful dense dispatch),
    # then gather the selected expert output per (token, k) and weight it.
    all_out = jnp.einsum('td,edf->tef', x, We) + be[None, :, :]  # [T, E, D]
    out = jnp.zeros_like(x)
    for k in range(K):
        idx = topk_idx[:, k]  # [T]
        sel = jnp.take_along_axis(all_out, idx[:, None, None], axis=1)[:, 0, :]  # [T, D]
        out = out + sel * topk_vals[:, k][:, None]
    return out

if __name__ == "__main__":
    import jax
    _d = setup_inputs()
    print(jax.jit(kernel)(*tuple(_d.values())))

</pallas_src>

<mosaic_0001>
#map = affine_map<(d0, d1) -> (0, 0)>
module attributes {stable_mosaic.version = 14 : i64} {
  func.func @_dispatch_body(%arg0: i32, %arg1: i32, %arg2: memref<4096x768xf32, #tpu.memory_space<hbm>>, %arg3: memref<8x4096xi32, #tpu.memory_space<hbm>>, %arg4: memref<8x4096xf32, #tpu.memory_space<hbm>>, %arg5: memref<5888x768xf32, #tpu.memory_space<hbm>>, %arg6: memref<5888x128xf32, #tpu.memory_space<hbm>>, %arg7: memref<128xi32, #tpu.memory_space<vmem>>, %arg8: memref<128x768xf32, #tpu.memory_space<vmem>>, %arg9: memref<128xf32, #tpu.memory_space<vmem>>, %arg10: memref<128xf32, #tpu.memory_space<vmem>>, %arg11: memref<128x128xf32, #tpu.memory_space<vmem>>, %arg12: memref<!tpu.dma_semaphore, #tpu.memory_space<semaphore_mem>>) attributes {dimension_semantics = [#tpu.dimension_semantics<core_parallel>, #tpu.dimension_semantics<subcore_parallel>], iteration_bounds = array<i64: 2, 16>, scalar_prefetch = 0 : i64, scratch_operands = 6 : i64, tpu.core_type = #tpu.core_type<sc_vector_subcore>, window_params = [{transform_indices = #map}, {transform_indices = #map}, {transform_indices = #map}, {transform_indices = #map}, {transform_indices = #map}]} {
    %mul3A = arith.constant 2 : i32
    %mul3A_0 = arith.muli %arg1, %mul3A : i32
    %add3A = arith.addi %mul3A_0, %arg0 : i32
    %iota3A = tpu.iota {dimensions = array<i32: 0>} : vector<16xi32>
    %broadcast_in_dim3A = arith.constant 0.000000e+00 : f32
    %broadcast_in_dim3A_1 = vector.broadcast %broadcast_in_dim3A : f32 to vector<16xf32>
    %mul3A_2 = arith.constant 128 : i32
    %mul3A_3 = arith.muli %add3A, %mul3A_2 : i32
    %run_scoped3A = arith.constant 0 : i32
    "tpu.region"() ({
      %run_scoped3A_22 = tpu.sem_alloc : memref<!tpu.dma_semaphore, #tpu.memory_space<semaphore_mem>>
      %dma_start3A_23 = tpu.memref_slice %arg3[%run_scoped3A, %mul3A_3] : memref<8x4096xi32, #tpu.memory_space<hbm>> -> memref<1x128xi32, #tpu.memory_space<hbm>>
      %dma_start3A_24 = tpu.memref_squeeze %dma_start3A_23 : memref<1x128xi32, #tpu.memory_space<hbm>> -> memref<128xi32, #tpu.memory_space<hbm>>
      %dma_start3A_25 = tpu.memref_slice %arg3[%run_scoped3A, %mul3A_3] : memref<8x4096xi32, #tpu.memory_space<hbm>> -> memref<1x128xi32, #tpu.memory_space<hbm>>
      %dma_start3A_26 = tpu.memref_squeeze %dma_start3A_25 : memref<1x128xi32, #tpu.memory_space<hbm>> -> memref<128xi32, #tpu.memory_space<hbm>>
      tpu.enqueue_dma source(%dma_start3A_26 : memref<128xi32, #tpu.memory_space<hbm>>) target(%arg7 : memref<128xi32, #tpu.memory_space<vmem>>) target_semaphore(%run_scoped3A_22 : memref<!tpu.dma_semaphore, #tpu.memory_space<semaphore_mem>>)
      %dma_wait3A_27 = tpu.memref_slice %arg3[%run_scoped3A, %mul3A_3] : memref<8x4096xi32, #tpu.memory_space<hbm>> -> memref<1x128xi32, #tpu.memory_space<hbm>>
      %dma_wait3A_28 = tpu.memref_squeeze %dma_wait3A_27 : memref<1x128xi32, #tpu.memory_space<hbm>> -> memref<128xi32, #tpu.memory_space<hbm>>
      %dma_wait3A_29 = tpu.memref_slice %arg3[%run_scoped3A, %mul3A_3] : memref<8x4096xi32, #tpu.memory_space<hbm>> -> memref<1x128xi32, #tpu.memory_space<hbm>>
      %dma_wait3A_30 = tpu.memref_squeeze %dma_wait3A_29 : memref<1x128xi32, #tpu.memory_space<hbm>> -> memref<128xi32, #tpu.memory_space<hbm>>
      tpu.wait_dma2 semaphore(%run_scoped3A_22 : memref<!tpu.dma_semaphore, #tpu.memory_space<semaphore_mem>>) src(%dma_wait3A_30 : memref<128xi32, #tpu.memory_space<hbm>>) dst(%arg7 : memref<128xi32, #tpu.memory_space<vmem>>)
      tpu.yield
    }) : () -> ()
    "tpu.region"() ({
      %run_scoped3A_22 = tpu.sem_alloc : memref<!tpu.dma_semaphore, #tpu.memory_space<semaphore_mem>>
      %dma_start3A_23 = arith.constant 0 : i32
      %dma_start3A_24 = tpu.memref_slice %arg2[%mul3A_3, %dma_start3A_23] : memref<4096x768xf32, #tpu.memory_space<hbm>> -> memref<128x768xf32, #tpu.memory_space<hbm>>
      %dma_start3A_25 = arith.constant 0 : i32
      %dma_start3A_26 = tpu.memref_slice %arg2[%mul3A_3, %dma_start3A_25] : memref<4096x768xf32, #tpu.memory_space<hbm>> -> memref<128x768xf32, #tpu.memory_space<hbm>>
      tpu.enqueue_dma source(%dma_start3A_26 : memref<128x768xf32, #tpu.memory_space<hbm>>) target(%arg8 : memref<128x768xf32, #tpu.memory_space<vmem>>) target_semaphore(%run_scoped3A_22 : memref<!tpu.dma_semaphore, #tpu.memory_space<semaphore_mem>>)
      %dma_wait3A_27 = arith.constant 0 : i32
      %dma_wait3A_28 = tpu.memref_slice %arg2[%mul3A_3, %dma_wait3A_27] : memref<4096x768xf32, #tpu.memory_space<hbm>> -> memref<128x768xf32, #tpu.memory_space<hbm>>
      %dma_wait3A_29 = arith.constant 0 : i32
      %dma_wait3A_30 = tpu.memref_slice %arg2[%mul3A_3, %dma_wait3A_29] : memref<4096x768xf32, #tpu.memory_space<hbm>> -> memref<128x768xf32, #tpu.memory_space<hbm>>
      tpu.wait_dma2 semaphore(%run_scoped3A_22 : memref<!tpu.dma_semaphore, #tpu.memory_space<semaphore_mem>>) src(%dma_wait3A_30 : memref<128x768xf32, #tpu.memory_space<hbm>>) dst(%arg8 : memref<128x768xf32, #tpu.memory_space<vmem>>)
      tpu.yield
    }) : () -> ()
    %run_scoped3A_4 = arith.constant 0 : i32
    "tpu.region"() ({
      %run_scoped3A_22 = tpu.sem_alloc : memref<!tpu.dma_semaphore, #tpu.memory_space<semaphore_mem>>
      %dma_start3A_23 = tpu.memref_slice %arg4[%run_scoped3A_4, %mul3A_3] : memref<8x4096xf32, #tpu.memory_space<hbm>> -> memref<1x128xf32, #tpu.memory_space<hbm>>
      %dma_start3A_24 = tpu.memref_squeeze %dma_start3A_23 : memref<1x128xf32, #tpu.memory_space<hbm>> -> memref<128xf32, #tpu.memory_space<hbm>>
      %dma_start3A_25 = tpu.memref_slice %arg4[%run_scoped3A_4, %mul3A_3] : memref<8x4096xf32, #tpu.memory_space<hbm>> -> memref<1x128xf32, #tpu.memory_space<hbm>>
      %dma_start3A_26 = tpu.memref_squeeze %dma_start3A_25 : memref<1x128xf32, #tpu.memory_space<hbm>> -> memref<128xf32, #tpu.memory_space<hbm>>
      tpu.enqueue_dma source(%dma_start3A_26 : memref<128xf32, #tpu.memory_space<hbm>>) target(%arg9 : memref<128xf32, #tpu.memory_space<vmem>>) target_semaphore(%run_scoped3A_22 : memref<!tpu.dma_semaphore, #tpu.memory_space<semaphore_mem>>)
      %dma_wait3A_27 = tpu.memref_slice %arg4[%run_scoped3A_4, %mul3A_3] : memref<8x4096xf32, #tpu.memory_space<hbm>> -> memref<1x128xf32, #tpu.memory_space<hbm>>
      %dma_wait3A_28 = tpu.memref_squeeze %dma_wait3A_27 : memref<1x128xf32, #tpu.memory_space<hbm>> -> memref<128xf32, #tpu.memory_space<hbm>>
      %dma_wait3A_29 = tpu.memref_slice %arg4[%run_scoped3A_4, %mul3A_3] : memref<8x4096xf32, #tpu.memory_space<hbm>> -> memref<1x128xf32, #tpu.memory_space<hbm>>
      %dma_wait3A_30 = tpu.memref_squeeze %dma_wait3A_29 : memref<1x128xf32, #tpu.memory_space<hbm>> -> memref<128xf32, #tpu.memory_space<hbm>>
      tpu.wait_dma2 semaphore(%run_scoped3A_22 : memref<!tpu.dma_semaphore, #tpu.memory_space<semaphore_mem>>) src(%dma_wait3A_30 : memref<128xf32, #tpu.memory_space<hbm>>) dst(%arg9 : memref<128xf32, #tpu.memory_space<vmem>>)
      tpu.yield
    }) : () -> ()
    %run_scoped3A_5 = arith.constant 1 : i32
    "tpu.region"() ({
      %run_scoped3A_22 = tpu.sem_alloc : memref<!tpu.dma_semaphore, #tpu.memory_space<semaphore_mem>>
      %dma_start3A_23 = tpu.memref_slice %arg4[%run_scoped3A_5, %mul3A_3] : memref<8x4096xf32, #tpu.memory_space<hbm>> -> memref<1x128xf32, #tpu.memory_space<hbm>>
      %dma_start3A_24 = tpu.memref_squeeze %dma_start3A_23 : memref<1x128xf32, #tpu.memory_space<hbm>> -> memref<128xf32, #tpu.memory_space<hbm>>
      %dma_start3A_25 = tpu.memref_slice %arg4[%run_scoped3A_5, %mul3A_3] : memref<8x4096xf32, #tpu.memory_space<hbm>> -> memref<1x128xf32, #tpu.memory_space<hbm>>
      %dma_start3A_26 = tpu.memref_squeeze %dma_start3A_25 : memref<1x128xf32, #tpu.memory_space<hbm>> -> memref<128xf32, #tpu.memory_space<hbm>>
      tpu.enqueue_dma source(%dma_start3A_26 : memref<128xf32, #tpu.memory_space<hbm>>) target(%arg10 : memref<128xf32, #tpu.memory_space<vmem>>) target_semaphore(%run_scoped3A_22 : memref<!tpu.dma_semaphore, #tpu.memory_space<semaphore_mem>>)
      %dma_wait3A_27 = tpu.memref_slice %arg4[%run_scoped3A_5, %mul3A_3] : memref<8x4096xf32, #tpu.memory_space<hbm>> -> memref<1x128xf32, #tpu.memory_space<hbm>>
      %dma_wait3A_28 = tpu.memref_squeeze %dma_wait3A_27 : memref<1x128xf32, #tpu.memory_space<hbm>> -> memref<128xf32, #tpu.memory_space<hbm>>
      %dma_wait3A_29 = tpu.memref_slice %arg4[%run_scoped3A_5, %mul3A_3] : memref<8x4096xf32, #tpu.memory_space<hbm>> -> memref<1x128xf32, #tpu.memory_space<hbm>>
      %dma_wait3A_30 = tpu.memref_squeeze %dma_wait3A_29 : memref<1x128xf32, #tpu.memory_space<hbm>> -> memref<128xf32, #tpu.memory_space<hbm>>
      tpu.wait_dma2 semaphore(%run_scoped3A_22 : memref<!tpu.dma_semaphore, #tpu.memory_space<semaphore_mem>>) src(%dma_wait3A_30 : memref<128xf32, #tpu.memory_space<hbm>>) dst(%arg10 : memref<128xf32, #tpu.memory_space<vmem>>)
      tpu.yield
    }) : () -> ()
    %dma_start3A = arith.constant 0 : i32
    %dma_start3A_6 = arith.constant 0 : i32
    %dma_start3A_7 = tpu.memref_slice %arg5[%dma_start3A, %dma_start3A_6] : memref<5888x768xf32, #tpu.memory_space<hbm>> -> memref<5888x768xf32, #tpu.memory_space<hbm>>
    tpu.enqueue_indirect_dma source(%arg8 : memref<128x768xf32, #tpu.memory_space<vmem>>) target(%dma_start3A_7 : memref<5888x768xf32, #tpu.memory_space<hbm>>) offsets(%arg7 : memref<128xi32, #tpu.memory_space<vmem>>) semaphore(%arg12 : memref<!tpu.dma_semaphore, #tpu.memory_space<semaphore_mem>>)
    %scan3A = arith.constant 0 : i32
    %scan3A_8 = arith.constant 0 : i32
    %scan3A_9 = arith.constant 8 : i32
    %scan3A_10 = arith.addi %scan3A_8, %scan3A_9 : i32
    %scan3A_11 = arith.constant 1 : i32
    %scan3A_12 = scf.for %scan3A_22 = %scan3A_8 to %scan3A_10 step %scan3A_11 iter_args(%scan3A_23 = %scan3A) -> (i32)  : i32 {
      %mul3A_24 = arith.constant 16 : i32
      %mul3A_25 = arith.muli %scan3A_22, %mul3A_24 : i32
      %get3A = arith.index_cast %mul3A_25 : i32 to index
      %get3A_26 = tpu.vector_load %arg9[%get3A] {strides = array<i32>} : memref<128xf32, #tpu.memory_space<vmem>>, vector<16xf32>,
      %get3A_27 = vector.shape_cast %get3A_26 : vector<16xf32> to vector<16xf32>
      %mul3A_28 = arith.constant 16 : i32
      %mul3A_29 = arith.muli %scan3A_22, %mul3A_28 : i32
      %get3A_30 = arith.index_cast %mul3A_29 : i32 to index
      %get3A_31 = tpu.vector_load %arg10[%get3A_30] {strides = array<i32>} : memref<128xf32, #tpu.memory_space<vmem>>, vector<16xf32>,
      %get3A_32 = vector.shape_cast %get3A_31 : vector<16xf32> to vector<16xf32>
      %eq3A = arith.constant 0 : i32
      %eq3A_33 = vector.broadcast %eq3A : i32 to vector<16xi32>
      %eq3A_34 = arith.cmpi eq, %iota3A, %eq3A_33 : vector<16xi32>
      %slice3A = vector.extract_strided_slice %get3A_27 {offsets = [0], sizes = [1], strides = [1]} : vector<16xf32> to vector<1xf32>
      %squeeze3A = vector.extract %slice3A[0] : f32 from vector<1xf32>
      %add3A_35 = vector.broadcast %squeeze3A : f32 to vector<16xf32>
      %add3A_36 = arith.addf %broadcast_in_dim3A_1, %add3A_35 : vector<16xf32>
      %eq3A_37 = arith.constant 1 : i32
      %eq3A_38 = vector.broadcast %eq3A_37 : i32 to vector<16xi32>
      %eq3A_39 = arith.cmpi eq, %iota3A, %eq3A_38 : vector<16xi32>
      %slice3A_40 = vector.extract_strided_slice %get3A_32 {offsets = [0], sizes = [1], strides = [1]} : vector<16xf32> to vector<1xf32>
      %squeeze3A_41 = vector.extract %slice3A_40[0] : f32 from vector<1xf32>
      %add3A_42 = vector.broadcast %squeeze3A_41 : f32 to vector<16xf32>
      %add3A_43 = arith.addf %broadcast_in_dim3A_1, %add3A_42 : vector<16xf32>
      %jit3A = arith.constant 0.000000e+00 : f32
      %broadcast_in_dim3A_44 = vector.broadcast %jit3A : f32 to vector<16xf32>
      %select_n3A = arith.select %eq3A_39, %add3A_43, %broadcast_in_dim3A_44 : vector<16xi1>, vector<16xf32>
      %select_n3A_45 = arith.select %eq3A_34, %add3A_36, %select_n3A : vector<16xi1>, vector<16xf32>
      %mul3A_46 = arith.constant 16 : i32
      %mul3A_47 = arith.muli %scan3A_22, %mul3A_46 : i32
      %add3A_48 = arith.constant 0 : i32
      %add3A_49 = arith.addi %mul3A_47, %add3A_48 : i32
      %swap3A = arith.index_cast %add3A_49 : i32 to index
      %swap3A_50 = arith.constant 0 : index
      %swap3A_51 = tpu.vector_load %arg11[%swap3A, %swap3A_50] {strides = array<i32>} : memref<128x128xf32, #tpu.memory_space<vmem>>, vector<1x16xf32>,
      %swap3A_52 = vector.shape_cast %swap3A_51 : vector<1x16xf32> to vector<16xf32>
      %swap3A_53 = vector.shape_cast %select_n3A_45 : vector<16xf32> to vector<1x16xf32>
      tpu.vector_store %arg11[%swap3A, %swap3A_50], %swap3A_53 {strides = array<i32>} : memref<128x128xf32, #tpu.memory_space<vmem>>, vector<1x16xf32>,
      %eq3A_54 = arith.constant 0 : i32
      %eq3A_55 = vector.broadcast %eq3A_54 : i32 to vector<16xi32>
      %eq3A_56 = arith.cmpi eq, %iota3A, %eq3A_55 : vector<16xi32>
      %slice3A_57 = vector.extract_strided_slice %get3A_27 {offsets = [1], sizes = [1], strides = [1]} : vector<16xf32> to vector<1xf32>
      %squeeze3A_58 = vector.extract %slice3A_57[0] : f32 from vector<1xf32>
      %add3A_59 = vector.broadcast %squeeze3A_58 : f32 to vector<16xf32>
      %add3A_60 = arith.addf %broadcast_in_dim3A_1, %add3A_59 : vector<16xf32>
      %eq3A_61 = arith.constant 1 : i32
      %eq3A_62 = vector.broadcast %eq3A_61 : i32 to vector<16xi32>
      %eq3A_63 = arith.cmpi eq, %iota3A, %eq3A_62 : vector<16xi32>
      %slice3A_64 = vector.extract_strided_slice %get3A_32 {offsets = [1], sizes = [1], strides = [1]} : vector<16xf32> to vector<1xf32>
      %squeeze3A_65 = vector.extract %slice3A_64[0] : f32 from vector<1xf32>
      %add3A_66 = vector.broadcast %squeeze3A_65 : f32 to vector<16xf32>
      %add3A_67 = arith.addf %broadcast_in_dim3A_1, %add3A_66 : vector<16xf32>
      %jit3A_68 = arith.constant 0.000000e+00 : f32
      %broadcast_in_dim3A_69 = vector.broadcast %jit3A_68 : f32 to vector<16xf32>
      %select_n3A_70 = arith.select %eq3A_63, %add3A_67, %broadcast_in_dim3A_69 : vector<16xi1>, vector<16xf32>
      %select_n3A_71 = arith.select %eq3A_56, %add3A_60, %select_n3A_70 : vector<16xi1>, vector<16xf32>
      %mul3A_72 = arith.constant 16 : i32
      %mul3A_73 = arith.muli %scan3A_22, %mul3A_72 : i32
      %add3A_74 = arith.constant 1 : i32
      %add3A_75 = arith.addi %mul3A_73, %add3A_74 : i32
      %swap3A_76 = arith.index_cast %add3A_75 : i32 to index
      %swap3A_77 = arith.constant 0 : index
      %swap3A_78 = tpu.vector_load %arg11[%swap3A_76, %swap3A_77] {strides = array<i32>} : memref<128x128xf32, #tpu.memory_space<vmem>>, vector<1x16xf32>,
      %swap3A_79 = vector.shape_cast %swap3A_78 : vector<1x16xf32> to vector<16xf32>
      %swap3A_80 = vector.shape_cast %select_n3A_71 : vector<16xf32> to vector<1x16xf32>
      tpu.vector_store %arg11[%swap3A_76, %swap3A_77], %swap3A_80 {strides = array<i32>} : memref<128x128xf32, #tpu.memory_space<vmem>>, vector<1x16xf32>,
      %eq3A_81 = arith.constant 0 : i32
      %eq3A_82 = vector.broadcast %eq3A_81 : i32 to vector<16xi32>
      %eq3A_83 = arith.cmpi eq, %iota3A, %eq3A_82 : vector<16xi32>
      %slice3A_84 = vector.extract_strided_slice %get3A_27 {offsets = [2], sizes = [1], strides = [1]} : vector<16xf32> to vector<1xf32>
      %squeeze3A_85 = vector.extract %slice3A_84[0] : f32 from vector<1xf32>
      %add3A_86 = vector.broadcast %squeeze3A_85 : f32 to vector<16xf32>
      %add3A_87 = arith.addf %broadcast_in_dim3A_1, %add3A_86 : vector<16xf32>
      %eq3A_88 = arith.constant 1 : i32
      %eq3A_89 = vector.broadcast %eq3A_88 : i32 to vector<16xi32>
      %eq3A_90 = arith.cmpi eq, %iota3A, %eq3A_89 : vector<16xi32>
      %slice3A_91 = vector.extract_strided_slice %get3A_32 {offsets = [2], sizes = [1], strides = [1]} : vector<16xf32> to vector<1xf32>
      %squeeze3A_92 = vector.extract %slice3A_91[0] : f32 from vector<1xf32>
      %add3A_93 = vector.broadcast %squeeze3A_92 : f32 to vector<16xf32>
      %add3A_94 = arith.addf %broadcast_in_dim3A_1, %add3A_93 : vector<16xf32>
      %jit3A_95 = arith.constant 0.000000e+00 : f32
      %broadcast_in_dim3A_96 = vector.broadcast %jit3A_95 : f32 to vector<16xf32>
      %select_n3A_97 = arith.select %eq3A_90, %add3A_94, %broadcast_in_dim3A_96 : vector<16xi1>, vector<16xf32>
      %select_n3A_98 = arith.select %eq3A_83, %add3A_87, %select_n3A_97 : vector<16xi1>, vector<16xf32>
      %mul3A_99 = arith.constant 16 : i32
      %mul3A_100 = arith.muli %scan3A_22, %mul3A_99 : i32
      %add3A_101 = arith.constant 2 : i32
      %add3A_102 = arith.addi %mul3A_100, %add3A_101 : i32
      %swap3A_103 = arith.index_cast %add3A_102 : i32 to index
      %swap3A_104 = arith.constant 0 : index
      %swap3A_105 = tpu.vector_load %arg11[%swap3A_103, %swap3A_104] {strides = array<i32>} : memref<128x128xf32, #tpu.memory_space<vmem>>, vector<1x16xf32>,
      %swap3A_106 = vector.shape_cast %swap3A_105 : vector<1x16xf32> to vector<16xf32>
      %swap3A_107 = vector.shape_cast %select_n3A_98 : vector<16xf32> to vector<1x16xf32>
      tpu.vector_store %arg11[%swap3A_103, %swap3A_104], %swap3A_107 {strides = array<i32>} : memref<128x128xf32, #tpu.memory_space<vmem>>, vector<1x16xf32>,
      %eq3A_108 = arith.constant 0 : i32
      %eq3A_109 = vector.broadcast %eq3A_108 : i32 to vector<16xi32>
      %eq3A_110 = arith.cmpi eq, %iota3A, %eq3A_109 : vector<16xi32>
      %slice3A_111 = vector.extract_strided_slice %get3A_27 {offsets = [3], sizes = [1], strides = [1]} : vector<16xf32> to vector<1xf32>
      %squeeze3A_112 = vector.extract %slice3A_111[0] : f32 from vector<1xf32>
      %add3A_113 = vector.broadcast %squeeze3A_112 : f32 to vector<16xf32>
      %add3A_114 = arith.addf %broadcast_in_dim3A_1, %add3A_113 : vector<16xf32>
      %eq3A_115 = arith.constant 1 : i32
      %eq3A_116 = vector.broadcast %eq3A_115 : i32 to vector<16xi32>
      %eq3A_117 = arith.cmpi eq, %iota3A, %eq3A_116 : vector<16xi32>
      %slice3A_118 = vector.extract_strided_slice %get3A_32 {offsets = [3], sizes = [1], strides = [1]} : vector<16xf32> to vector<1xf32>
      %squeeze3A_119 = vector.extract %slice3A_118[0] : f32 from vector<1xf32>
      %add3A_120 = vector.broadcast %squeeze3A_119 : f32 to vector<16xf32>
      %add3A_121 = arith.addf %broadcast_in_dim3A_1, %add3A_120 : vector<16xf32>
      %jit3A_122 = arith.constant 0.000000e+00 : f32
      %broadcast_in_dim3A_123 = vector.broadcast %jit3A_122 : f32 to vector<16xf32>
      %select_n3A_124 = arith.select %eq3A_117, %add3A_121, %broadcast_in_dim3A_123 : vector<16xi1>, vector<16xf32>
      %select_n3A_125 = arith.select %eq3A_110, %add3A_114, %select_n3A_124 : vector<16xi1>, vector<16xf32>
      %mul3A_126 = arith.constant 16 : i32
      %mul3A_127 = arith.muli %scan3A_22, %mul3A_126 : i32
      %add3A_128 = arith.constant 3 : i32
      %add3A_129 = arith.addi %mul3A_127, %add3A_128 : i32
      %swap3A_130 = arith.index_cast %add3A_129 : i32 to index
      %swap3A_131 = arith.constant 0 : index
      %swap3A_132 = tpu.vector_load %arg11[%swap3A_130, %swap3A_131] {strides = array<i32>} : memref<128x128xf32, #tpu.memory_space<vmem>>, vector<1x16xf32>,
      %swap3A_133 = vector.shape_cast %swap3A_132 : vector<1x16xf32> to vector<16xf32>
      %swap3A_134 = vector.shape_cast %select_n3A_125 : vector<16xf32> to vector<1x16xf32>
      tpu.vector_store %arg11[%swap3A_130, %swap3A_131], %swap3A_134 {strides = array<i32>} : memref<128x128xf32, #tpu.memory_space<vmem>>, vector<1x16xf32>,
      %eq3A_135 = arith.constant 0 : i32
      %eq3A_136 = vector.broadcast %eq3A_135 : i32 to vector<16xi32>
      %eq3A_137 = arith.cmpi eq, %iota3A, %eq3A_136 : vector<16xi32>
      %slice3A_138 = vector.extract_strided_slice %get3A_27 {offsets = [4], sizes = [1], strides = [1]} : vector<16xf32> to vector<1xf32>
      %squeeze3A_139 = vector.extract %slice3A_138[0] : f32 from vector<1xf32>
      %add3A_140 = vector.broadcast %squeeze3A_139 : f32 to vector<16xf32>
      %add3A_141 = arith.addf %broadcast_in_dim3A_1, %add3A_140 : vector<16xf32>
      %eq3A_142 = arith.constant 1 : i32
      %eq3A_143 = vector.broadcast %eq3A_142 : i32 to vector<16xi32>
      %eq3A_144 = arith.cmpi eq, %iota3A, %eq3A_143 : vector<16xi32>
      %slice3A_145 = vector.extract_strided_slice %get3A_32 {offsets = [4], sizes = [1], strides = [1]} : vector<16xf32> to vector<1xf32>
      %squeeze3A_146 = vector.extract %slice3A_145[0] : f32 from vector<1xf32>
      %add3A_147 = vector.broadcast %squeeze3A_146 : f32 to vector<16xf32>
      %add3A_148 = arith.addf %broadcast_in_dim3A_1, %add3A_147 : vector<16xf32>
      %jit3A_149 = arith.constant 0.000000e+00 : f32
      %broadcast_in_dim3A_150 = vector.broadcast %jit3A_149 : f32 to vector<16xf32>
      %select_n3A_151 = arith.select %eq3A_144, %add3A_148, %broadcast_in_dim3A_150 : vector<16xi1>, vector<16xf32>
      %select_n3A_152 = arith.select %eq3A_137, %add3A_141, %select_n3A_151 : vector<16xi1>, vector<16xf32>
      %mul3A_153 = arith.constant 16 : i32
      %mul3A_154 = arith.muli %scan3A_22, %mul3A_153 : i32
      %add3A_155 = arith.constant 4 : i32
      %add3A_156 = arith.addi %mul3A_154, %add3A_155 : i32
      %swap3A_157 = arith.index_cast %add3A_156 : i32 to index
      %swap3A_158 = arith.constant 0 : index
      %swap3A_159 = tpu.vector_load %arg11[%swap3A_157, %swap3A_158] {strides = array<i32>} : memref<128x128xf32, #tpu.memory_space<vmem>>, vector<1x16xf32>,
      %swap3A_160 = vector.shape_cast %swap3A_159 : vector<1x16xf32> to vector<16xf32>
      %swap3A_161 = vector.shape_cast %select_n3A_152 : vector<16xf32> to vector<1x16xf32>
      tpu.vector_store %arg11[%swap3A_157, %swap3A_158], %swap3A_161 {strides = array<i32>} : memref<128x128xf32, #tpu.memory_space<vmem>>, vector<1x16xf32>,
      %eq3A_162 = arith.constant 0 : i32
      %eq3A_163 = vector.broadcast %eq3A_162 : i32 to vector<16xi32>
      %eq3A_164 = arith.cmpi eq, %iota3A, %eq3A_163 : vector<16xi32>
      %slice3A_165 = vector.extract_strided_slice %get3A_27 {offsets = [5], sizes = [1], strides = [1]} : vector<16xf32> to vector<1xf32>
      %squeeze3A_166 = vector.extract %slice3A_165[0] : f32 from vector<1xf32>
      %add3A_167 = vector.broadcast %squeeze3A_166 : f32 to vector<16xf32>
      %add3A_168 = arith.addf %broadcast_in_dim3A_1, %add3A_167 : vector<16xf32>
      %eq3A_169 = arith.constant 1 : i32
      %eq3A_170 = vector.broadcast %eq3A_169 : i32 to vector<16xi32>
      %eq3A_171 = arith.cmpi eq, %iota3A, %eq3A_170 : vector<16xi32>
      %slice3A_172 = vector.extract_strided_slice %get3A_32 {offsets = [5], sizes = [1], strides = [1]} : vector<16xf32> to vector<1xf32>
      %squeeze3A_173 = vector.extract %slice3A_172[0] : f32 from vector<1xf32>
      %add3A_174 = vector.broadcast %squeeze3A_173 : f32 to vector<16xf32>
      %add3A_175 = arith.addf %broadcast_in_dim3A_1, %add3A_174 : vector<16xf32>
      %jit3A_176 = arith.constant 0.000000e+00 : f32
      %broadcast_in_dim3A_177 = vector.broadcast %jit3A_176 : f32 to vector<16xf32>
      %select_n3A_178 = arith.select %eq3A_171, %add3A_175, %broadcast_in_dim3A_177 : vector<16xi1>, vector<16xf32>
      %select_n3A_179 = arith.select %eq3A_164, %add3A_168, %select_n3A_178 : vector<16xi1>, vector<16xf32>
      %mul3A_180 = arith.constant 16 : i32
      %mul3A_181 = arith.muli %scan3A_22, %mul3A_180 : i32
      %add3A_182 = arith.constant 5 : i32
      %add3A_183 = arith.addi %mul3A_181, %add3A_182 : i32
      %swap3A_184 = arith.index_cast %add3A_183 : i32 to index
      %swap3A_185 = arith.constant 0 : index
      %swap3A_186 = tpu.vector_load %arg11[%swap3A_184, %swap3A_185] {strides = array<i32>} : memref<128x128xf32, #tpu.memory_space<vmem>>, vector<1x16xf32>,
      %swap3A_187 = vector.shape_cast %swap3A_186 : vector<1x16xf32> to vector<16xf32>
      %swap3A_188 = vector.shape_cast %select_n3A_179 : vector<16xf32> to vector<1x16xf32>
      tpu.vector_store %arg11[%swap3A_184, %swap3A_185], %swap3A_188 {strides = array<i32>} : memref<128x128xf32, #tpu.memory_space<vmem>>, vector<1x16xf32>,
      %eq3A_189 = arith.constant 0 : i32
      %eq3A_190 = vector.broadcast %eq3A_189 : i32 to vector<16xi32>
      %eq3A_191 = arith.cmpi eq, %iota3A, %eq3A_190 : vector<16xi32>
      %slice3A_192 = vector.extract_strided_slice %get3A_27 {offsets = [6], sizes = [1], strides = [1]} : vector<16xf32> to vector<1xf32>
      %squeeze3A_193 = vector.extract %slice3A_192[0] : f32 from vector<1xf32>
      %add3A_194 = vector.broadcast %squeeze3A_193 : f32 to vector<16xf32>
      %add3A_195 = arith.addf %broadcast_in_dim3A_1, %add3A_194 : vector<16xf32>
      %eq3A_196 = arith.constant 1 : i32
      %eq3A_197 = vector.broadcast %eq3A_196 : i32 to vector<16xi32>
      %eq3A_198 = arith.cmpi eq, %iota3A, %eq3A_197 : vector<16xi32>
      %slice3A_199 = vector.extract_strided_slice %get3A_32 {offsets = [6], sizes = [1], strides = [1]} : vector<16xf32> to vector<1xf32>
      %squeeze3A_200 = vector.extract %slice3A_199[0] : f32 from vector<1xf32>
      %add3A_201 = vector.broadcast %squeeze3A_200 : f32 to vector<16xf32>
      %add3A_202 = arith.addf %broadcast_in_dim3A_1, %add3A_201 : vector<16xf32>
      %jit3A_203 = arith.constant 0.000000e+00 : f32
      %broadcast_in_dim3A_204 = vector.broadcast %jit3A_203 : f32 to vector<16xf32>
      %select_n3A_205 = arith.select %eq3A_198, %add3A_202, %broadcast_in_dim3A_204 : vector<16xi1>, vector<16xf32>
      %select_n3A_206 = arith.select %eq3A_191, %add3A_195, %select_n3A_205 : vector<16xi1>, vector<16xf32>
      %mul3A_207 = arith.constant 16 : i32
      %mul3A_208 = arith.muli %scan3A_22, %mul3A_207 : i32
      %add3A_209 = arith.constant 6 : i32
      %add3A_210 = arith.addi %mul3A_208, %add3A_209 : i32
      %swap3A_211 = arith.index_cast %add3A_210 : i32 to index
      %swap3A_212 = arith.constant 0 : index
      %swap3A_213 = tpu.vector_load %arg11[%swap3A_211, %swap3A_212] {strides = array<i32>} : memref<128x128xf32, #tpu.memory_space<vmem>>, vector<1x16xf32>,
      %swap3A_214 = vector.shape_cast %swap3A_213 : vector<1x16xf32> to vector<16xf32>
      %swap3A_215 = vector.shape_cast %select_n3A_206 : vector<16xf32> to vector<1x16xf32>
      tpu.vector_store %arg11[%swap3A_211, %swap3A_212], %swap3A_215 {strides = array<i32>} : memref<128x128xf32, #tpu.memory_space<vmem>>, vector<1x16xf32>,
      %eq3A_216 = arith.constant 0 : i32
      %eq3A_217 = vector.broadcast %eq3A_216 : i32 to vector<16xi32>
      %eq3A_218 = arith.cmpi eq, %iota3A, %eq3A_217 : vector<16xi32>
      %slice3A_219 = vector.extract_strided_slice %get3A_27 {offsets = [7], sizes = [1], strides = [1]} : vector<16xf32> to vector<1xf32>
      %squeeze3A_220 = vector.extract %slice3A_219[0] : f32 from vector<1xf32>
      %add3A_221 = vector.broadcast %squeeze3A_220 : f32 to vector<16xf32>
      %add3A_222 = arith.addf %broadcast_in_dim3A_1, %add3A_221 : vector<16xf32>
      %eq3A_223 = arith.constant 1 : i32
      %eq3A_224 = vector.broadcast %eq3A_223 : i32 to vector<16xi32>
      %eq3A_225 = arith.cmpi eq, %iota3A, %eq3A_224 : vector<16xi32>
      %slice3A_226 = vector.extract_strided_slice %get3A_32 {offsets = [7], sizes = [1], strides = [1]} : vector<16xf32> to vector<1xf32>
      %squeeze3A_227 = vector.extract %slice3A_226[0] : f32 from vector<1xf32>
      %add3A_228 = vector.broadcast %squeeze3A_227 : f32 to vector<16xf32>
      %add3A_229 = arith.addf %broadcast_in_dim3A_1, %add3A_228 : vector<16xf32>
      %jit3A_230 = arith.constant 0.000000e+00 : f32
      %broadcast_in_dim3A_231 = vector.broadcast %jit3A_230 : f32 to vector<16xf32>
      %select_n3A_232 = arith.select %eq3A_225, %add3A_229, %broadcast_in_dim3A_231 : vector<16xi1>, vector<16xf32>
      %select_n3A_233 = arith.select %eq3A_218, %add3A_222, %select_n3A_232 : vector<16xi1>, vector<16xf32>
      %mul3A_234 = arith.constant 16 : i32
      %mul3A_235 = arith.muli %scan3A_22, %mul3A_234 : i32
      %add3A_236 = arith.constant 7 : i32
      %add3A_237 = arith.addi %mul3A_235, %add3A_236 : i32
      %swap3A_238 = arith.index_cast %add3A_237 : i32 to index
      %swap3A_239 = arith.constant 0 : index
      %swap3A_240 = tpu.vector_load %arg11[%swap3A_238, %swap3A_239] {strides = array<i32>} : memref<128x128xf32, #tpu.memory_space<vmem>>, vector<1x16xf32>,
      %swap3A_241 = vector.shape_cast %swap3A_240 : vector<1x16xf32> to vector<16xf32>
      %swap3A_242 = vector.shape_cast %select_n3A_233 : vector<16xf32> to vector<1x16xf32>
      tpu.vector_store %arg11[%swap3A_238, %swap3A_239], %swap3A_242 {strides = array<i32>} : memref<128x128xf32, #tpu.memory_space<vmem>>, vector<1x16xf32>,
      %eq3A_243 = arith.constant 0 : i32
      %eq3A_244 = vector.broadcast %eq3A_243 : i32 to vector<16xi32>
      %eq3A_245 = arith.cmpi eq, %iota3A, %eq3A_244 : vector<16xi32>
      %slice3A_246 = vector.extract_strided_slice %get3A_27 {offsets = [8], sizes = [1], strides = [1]} : vector<16xf32> to vector<1xf32>
      %squeeze3A_247 = vector.extract %slice3A_246[0] : f32 from vector<1xf32>
      %add3A_248 = vector.broadcast %squeeze3A_247 : f32 to vector<16xf32>
      %add3A_249 = arith.addf %broadcast_in_dim3A_1, %add3A_248 : vector<16xf32>
      %eq3A_250 = arith.constant 1 : i32
      %eq3A_251 = vector.broadcast %eq3A_250 : i32 to vector<16xi32>
      %eq3A_252 = arith.cmpi eq, %iota3A, %eq3A_251 : vector<16xi32>
      %slice3A_253 = vector.extract_strided_slice %get3A_32 {offsets = [8], sizes = [1], strides = [1]} : vector<16xf32> to vector<1xf32>
      %squeeze3A_254 = vector.extract %slice3A_253[0] : f32 from vector<1xf32>
      %add3A_255 = vector.broadcast %squeeze3A_254 : f32 to vector<16xf32>
      %add3A_256 = arith.addf %broadcast_in_dim3A_1, %add3A_255 : vector<16xf32>
      %jit3A_257 = arith.constant 0.000000e+00 : f32
      %broadcast_in_dim3A_258 = vector.broadcast %jit3A_257 : f32 to vector<16xf32>
      %select_n3A_259 = arith.select %eq3A_252, %add3A_256, %broadcast_in_dim3A_258 : vector<16xi1>, vector<16xf32>
      %select_n3A_260 = arith.select %eq3A_245, %add3A_249, %select_n3A_259 : vector<16xi1>, vector<16xf32>
      %mul3A_261 = arith.constant 16 : i32
      %mul3A_262 = arith.muli %scan3A_22, %mul3A_261 : i32
      %add3A_263 = arith.constant 8 : i32
      %add3A_264 = arith.addi %mul3A_262, %add3A_263 : i32
      %swap3A_265 = arith.index_cast %add3A_264 : i32 to index
      %swap3A_266 = arith.constant 0 : index
      %swap3A_267 = tpu.vector_load %arg11[%swap3A_265, %swap3A_266] {strides = array<i32>} : memref<128x128xf32, #tpu.memory_space<vmem>>, vector<1x16xf32>,
      %swap3A_268 = vector.shape_cast %swap3A_267 : vector<1x16xf32> to vector<16xf32>
      %swap3A_269 = vector.shape_cast %select_n3A_260 : vector<16xf32> to vector<1x16xf32>
      tpu.vector_store %arg11[%swap3A_265, %swap3A_266], %swap3A_269 {strides = array<i32>} : memref<128x128xf32, #tpu.memory_space<vmem>>, vector<1x16xf32>,
      %eq3A_270 = arith.constant 0 : i32
      %eq3A_271 = vector.broadcast %eq3A_270 : i32 to vector<16xi32>
      %eq3A_272 = arith.cmpi eq, %iota3A, %eq3A_271 : vector<16xi32>
      %slice3A_273 = vector.extract_strided_slice %get3A_27 {offsets = [9], sizes = [1], strides = [1]} : vector<16xf32> to vector<1xf32>
      %squeeze3A_274 = vector.extract %slice3A_273[0] : f32 from vector<1xf32>
      %add3A_275 = vector.broadcast %squeeze3A_274 : f32 to vector<16xf32>
      %add3A_276 = arith.addf %broadcast_in_dim3A_1, %add3A_275 : vector<16xf32>
      %eq3A_277 = arith.constant 1 : i32
      %eq3A_278 = vector.broadcast %eq3A_277 : i32 to vector<16xi32>
      %eq3A_279 = arith.cmpi eq, %iota3A, %eq3A_278 : vector<16xi32>
      %slice3A_280 = vector.extract_strided_slice %get3A_32 {offsets = [9], sizes = [1], strides = [1]} : vector<16xf32> to vector<1xf32>
      %squeeze3A_281 = vector.extract %slice3A_280[0] : f32 from vector<1xf32>
      %add3A_282 = vector.broadcast %squeeze3A_281 : f32 to vector<16xf32>
      %add3A_283 = arith.addf %broadcast_in_dim3A_1, %add3A_282 : vector<16xf32>
      %jit3A_284 = arith.constant 0.000000e+00 : f32
      %broadcast_in_dim3A_285 = vector.broadcast %jit3A_284 : f32 to vector<16xf32>
      %select_n3A_286 = arith.select %eq3A_279, %add3A_283, %broadcast_in_dim3A_285 : vector<16xi1>, vector<16xf32>
      %select_n3A_287 = arith.select %eq3A_272, %add3A_276, %select_n3A_286 : vector<16xi1>, vector<16xf32>
      %mul3A_288 = arith.constant 16 : i32
      %mul3A_289 = arith.muli %scan3A_22, %mul3A_288 : i32
      %add3A_290 = arith.constant 9 : i32
      %add3A_291 = arith.addi %mul3A_289, %add3A_290 : i32
      %swap3A_292 = arith.index_cast %add3A_291 : i32 to index
      %swap3A_293 = arith.constant 0 : index
      %swap3A_294 = tpu.vector_load %arg11[%swap3A_292, %swap3A_293] {strides = array<i32>} : memref<128x128xf32, #tpu.memory_space<vmem>>, vector<1x16xf32>,
      %swap3A_295 = vector.shape_cast %swap3A_294 : vector<1x16xf32> to vector<16xf32>
      %swap3A_296 = vector.shape_cast %select_n3A_287 : vector<16xf32> to vector<1x16xf32>
      tpu.vector_store %arg11[%swap3A_292, %swap3A_293], %swap3A_296 {strides = array<i32>} : memref<128x128xf32, #tpu.memory_space<vmem>>, vector<1x16xf32>,
      %eq3A_297 = arith.constant 0 : i32
      %eq3A_298 = vector.broadcast %eq3A_297 : i32 to vector<16xi32>
      %eq3A_299 = arith.cmpi eq, %iota3A, %eq3A_298 : vector<16xi32>
      %slice3A_300 = vector.extract_strided_slice %get3A_27 {offsets = [10], sizes = [1], strides = [1]} : vector<16xf32> to vector<1xf32>
      %squeeze3A_301 = vector.extract %slice3A_300[0] : f32 from vector<1xf32>
      %add3A_302 = vector.broadcast %squeeze3A_301 : f32 to vector<16xf32>
      %add3A_303 = arith.addf %broadcast_in_dim3A_1, %add3A_302 : vector<16xf32>
      %eq3A_304 = arith.constant 1 : i32
      %eq3A_305 = vector.broadcast %eq3A_304 : i32 to vector<16xi32>
      %eq3A_306 = arith.cmpi eq, %iota3A, %eq3A_305 : vector<16xi32>
      %slice3A_307 = vector.extract_strided_slice %get3A_32 {offsets = [10], sizes = [1], strides = [1]} : vector<16xf32> to vector<1xf32>
      %squeeze3A_308 = vector.extract %slice3A_307[0] : f32 from vector<1xf32>
      %add3A_309 = vector.broadcast %squeeze3A_308 : f32 to vector<16xf32>
      %add3A_310 = arith.addf %broadcast_in_dim3A_1, %add3A_309 : vector<16xf32>
      %jit3A_311 = arith.constant 0.000000e+00 : f32
      %broadcast_in_dim3A_312 = vector.broadcast %jit3A_311 : f32 to vector<16xf32>
      %select_n3A_313 = arith.select %eq3A_306, %add3A_310, %broadcast_in_dim3A_312 : vector<16xi1>, vector<16xf32>
      %select_n3A_314 = arith.select %eq3A_299, %add3A_303, %select_n3A_313 : vector<16xi1>, vector<16xf32>
      %mul3A_315 = arith.constant 16 : i32
      %mul3A_316 = arith.muli %scan3A_22, %mul3A_315 : i32
      %add3A_317 = arith.constant 10 : i32
      %add3A_318 = arith.addi %mul3A_316, %add3A_317 : i32
      %swap3A_319 = arith.index_cast %add3A_318 : i32 to index
      %swap3A_320 = arith.constant 0 : index
      %swap3A_321 = tpu.vector_load %arg11[%swap3A_319, %swap3A_320] {strides = array<i32>} : memref<128x128xf32, #tpu.memory_space<vmem>>, vector<1x16xf32>,
      %swap3A_322 = vector.shape_cast %swap3A_321 : vector<1x16xf32> to vector<16xf32>
      %swap3A_323 = vector.shape_cast %select_n3A_314 : vector<16xf32> to vector<1x16xf32>
      tpu.vector_store %arg11[%swap3A_319, %swap3A_320], %swap3A_323 {strides = array<i32>} : memref<128x128xf32, #tpu.memory_space<vmem>>, vector<1x16xf32>,
      %eq3A_324 = arith.constant 0 : i32
      %eq3A_325 = vector.broadcast %eq3A_324 : i32 to vector<16xi32>
      %eq3A_326 = arith.cmpi eq, %iota3A, %eq3A_325 : vector<16xi32>
      %slice3A_327 = vector.extract_strided_slice %get3A_27 {offsets = [11], sizes = [1], strides = [1]} : vector<16xf32> to vector<1xf32>
      %squeeze3A_328 = vector.extract %slice3A_327[0] : f32 from vector<1xf32>
      %add3A_329 = vector.broadcast %squeeze3A_328 : f32 to vector<16xf32>
      %add3A_330 = arith.addf %broadcast_in_dim3A_1, %add3A_329 : vector<16xf32>
      %eq3A_331 = arith.constant 1 : i32
      %eq3A_332 = vector.broadcast %eq3A_331 : i32 to vector<16xi32>
      %eq3A_333 = arith.cmpi eq, %iota3A, %eq3A_332 : vector<16xi32>
      %slice3A_334 = vector.extract_strided_slice %get3A_32 {offsets = [11], sizes = [1], strides = [1]} : vector<16xf32> to vector<1xf32>
      %squeeze3A_335 = vector.extract %slice3A_334[0] : f32 from vector<1xf32>
      %add3A_336 = vector.broadcast %squeeze3A_335 : f32 to vector<16xf32>
      %add3A_337 = arith.addf %broadcast_in_dim3A_1, %add3A_336 : vector<16xf32>
      %jit3A_338 = arith.constant 0.000000e+00 : f32
      %broadcast_in_dim3A_339 = vector.broadcast %jit3A_338 : f32 to vector<16xf32>
      %select_n3A_340 = arith.select %eq3A_333, %add3A_337, %broadcast_in_dim3A_339 : vector<16xi1>, vector<16xf32>
      %select_n3A_341 = arith.select %eq3A_326, %add3A_330, %select_n3A_340 : vector<16xi1>, vector<16xf32>
      %mul3A_342 = arith.constant 16 : i32
      %mul3A_343 = arith.muli %scan3A_22, %mul3A_342 : i32
      %add3A_344 = arith.constant 11 : i32
      %add3A_345 = arith.addi %mul3A_343, %add3A_344 : i32
      %swap3A_346 = arith.index_cast %add3A_345 : i32 to index
      %swap3A_347 = arith.constant 0 : index
      %swap3A_348 = tpu.vector_load %arg11[%swap3A_346, %swap3A_347] {strides = array<i32>} : memref<128x128xf32, #tpu.memory_space<vmem>>, vector<1x16xf32>,
      %swap3A_349 = vector.shape_cast %swap3A_348 : vector<1x16xf32> to vector<16xf32>
      %swap3A_350 = vector.shape_cast %select_n3A_341 : vector<16xf32> to vector<1x16xf32>
      tpu.vector_store %arg11[%swap3A_346, %swap3A_347], %swap3A_350 {strides = array<i32>} : memref<128x128xf32, #tpu.memory_space<vmem>>, vector<1x16xf32>,
      %eq3A_351 = arith.constant 0 : i32
      %eq3A_352 = vector.broadcast %eq3A_351 : i32 to vector<16xi32>
      %eq3A_353 = arith.cmpi eq, %iota3A, %eq3A_352 : vector<16xi32>
      %slice3A_354 = vector.extract_strided_slice %get3A_27 {offsets = [12], sizes = [1], strides = [1]} : vector<16xf32> to vector<1xf32>
      %squeeze3A_355 = vector.extract %slice3A_354[0] : f32 from vector<1xf32>
      %add3A_356 = vector.broadcast %squeeze3A_355 : f32 to vector<16xf32>
      %add3A_357 = arith.addf %broadcast_in_dim3A_1, %add3A_356 : vector<16xf32>
      %eq3A_358 = arith.constant 1 : i32
      %eq3A_359 = vector.broadcast %eq3A_358 : i32 to vector<16xi32>
      %eq3A_360 = arith.cmpi eq, %iota3A, %eq3A_359 : vector<16xi32>
      %slice3A_361 = vector.extract_strided_slice %get3A_32 {offsets = [12], sizes = [1], strides = [1]} : vector<16xf32> to vector<1xf32>
      %squeeze3A_362 = vector.extract %slice3A_361[0] : f32 from vector<1xf32>
      %add3A_363 = vector.broadcast %squeeze3A_362 : f32 to vector<16xf32>
      %add3A_364 = arith.addf %broadcast_in_dim3A_1, %add3A_363 : vector<16xf32>
      %jit3A_365 = arith.constant 0.000000e+00 : f32
      %broadcast_in_dim3A_366 = vector.broadcast %jit3A_365 : f32 to vector<16xf32>
      %select_n3A_367 = arith.select %eq3A_360, %add3A_364, %broadcast_in_dim3A_366 : vector<16xi1>, vector<16xf32>
      %select_n3A_368 = arith.select %eq3A_353, %add3A_357, %select_n3A_367 : vector<16xi1>, vector<16xf32>
      %mul3A_369 = arith.constant 16 : i32
      %mul3A_370 = arith.muli %scan3A_22, %mul3A_369 : i32
      %add3A_371 = arith.constant 12 : i32
      %add3A_372 = arith.addi %mul3A_370, %add3A_371 : i32
      %swap3A_373 = arith.index_cast %add3A_372 : i32 to index
      %swap3A_374 = arith.constant 0 : index
      %swap3A_375 = tpu.vector_load %arg11[%swap3A_373, %swap3A_374] {strides = array<i32>} : memref<128x128xf32, #tpu.memory_space<vmem>>, vector<1x16xf32>,
      %swap3A_376 = vector.shape_cast %swap3A_375 : vector<1x16xf32> to vector<16xf32>
      %swap3A_377 = vector.shape_cast %select_n3A_368 : vector<16xf32> to vector<1x16xf32>
      tpu.vector_store %arg11[%swap3A_373, %swap3A_374], %swap3A_377 {strides = array<i32>} : memref<128x128xf32, #tpu.memory_space<vmem>>, vector<1x16xf32>,
      %eq3A_378 = arith.constant 0 : i32
      %eq3A_379 = vector.broadcast %eq3A_378 : i32 to vector<16xi32>
      %eq3A_380 = arith.cmpi eq, %iota3A, %eq3A_379 : vector<16xi32>
      %slice3A_381 = vector.extract_strided_slice %get3A_27 {offsets = [13], sizes = [1], strides = [1]} : vector<16xf32> to vector<1xf32>
      %squeeze3A_382 = vector.extract %slice3A_381[0] : f32 from vector<1xf32>
      %add3A_383 = vector.broadcast %squeeze3A_382 : f32 to vector<16xf32>
      %add3A_384 = arith.addf %broadcast_in_dim3A_1, %add3A_383 : vector<16xf32>
      %eq3A_385 = arith.constant 1 : i32
      %eq3A_386 = vector.broadcast %eq3A_385 : i32 to vector<16xi32>
      %eq3A_387 = arith.cmpi eq, %iota3A, %eq3A_386 : vector<16xi32>
      %slice3A_388 = vector.extract_strided_slice %get3A_32 {offsets = [13], sizes = [1], strides = [1]} : vector<16xf32> to vector<1xf32>
      %squeeze3A_389 = vector.extract %slice3A_388[0] : f32 from vector<1xf32>
      %add3A_390 = vector.broadcast %squeeze3A_389 : f32 to vector<16xf32>
      %add3A_391 = arith.addf %broadcast_in_dim3A_1, %add3A_390 : vector<16xf32>
      %jit3A_392 = arith.constant 0.000000e+00 : f32
      %broadcast_in_dim3A_393 = vector.broadcast %jit3A_392 : f32 to vector<16xf32>
      %select_n3A_394 = arith.select %eq3A_387, %add3A_391, %broadcast_in_dim3A_393 : vector<16xi1>, vector<16xf32>
      %select_n3A_395 = arith.select %eq3A_380, %add3A_384, %select_n3A_394 : vector<16xi1>, vector<16xf32>
      %mul3A_396 = arith.constant 16 : i32
      %mul3A_397 = arith.muli %scan3A_22, %mul3A_396 : i32
      %add3A_398 = arith.constant 13 : i32
      %add3A_399 = arith.addi %mul3A_397, %add3A_398 : i32
      %swap3A_400 = arith.index_cast %add3A_399 : i32 to index
      %swap3A_401 = arith.constant 0 : index
      %swap3A_402 = tpu.vector_load %arg11[%swap3A_400, %swap3A_401] {strides = array<i32>} : memref<128x128xf32, #tpu.memory_space<vmem>>, vector<1x16xf32>,
      %swap3A_403 = vector.shape_cast %swap3A_402 : vector<1x16xf32> to vector<16xf32>
      %swap3A_404 = vector.shape_cast %select_n3A_395 : vector<16xf32> to vector<1x16xf32>
      tpu.vector_store %arg11[%swap3A_400, %swap3A_401], %swap3A_404 {strides = array<i32>} : memref<128x128xf32, #tpu.memory_space<vmem>>, vector<1x16xf32>,
      %eq3A_405 = arith.constant 0 : i32
      %eq3A_406 = vector.broadcast %eq3A_405 : i32 to vector<16xi32>
      %eq3A_407 = arith.cmpi eq, %iota3A, %eq3A_406 : vector<16xi32>
      %slice3A_408 = vector.extract_strided_slice %get3A_27 {offsets = [14], sizes = [1], strides = [1]} : vector<16xf32> to vector<1xf32>
      %squeeze3A_409 = vector.extract %slice3A_408[0] : f32 from vector<1xf32>
      %add3A_410 = vector.broadcast %squeeze3A_409 : f32 to vector<16xf32>
      %add3A_411 = arith.addf %broadcast_in_dim3A_1, %add3A_410 : vector<16xf32>
      %eq3A_412 = arith.constant 1 : i32
      %eq3A_413 = vector.broadcast %eq3A_412 : i32 to vector<16xi32>
      %eq3A_414 = arith.cmpi eq, %iota3A, %eq3A_413 : vector<16xi32>
      %slice3A_415 = vector.extract_strided_slice %get3A_32 {offsets = [14], sizes = [1], strides = [1]} : vector<16xf32> to vector<1xf32>
      %squeeze3A_416 = vector.extract %slice3A_415[0] : f32 from vector<1xf32>
      %add3A_417 = vector.broadcast %squeeze3A_416 : f32 to vector<16xf32>
      %add3A_418 = arith.addf %broadcast_in_dim3A_1, %add3A_417 : vector<16xf32>
      %jit3A_419 = arith.constant 0.000000e+00 : f32
      %broadcast_in_dim3A_420 = vector.broadcast %jit3A_419 : f32 to vector<16xf32>
      %select_n3A_421 = arith.select %eq3A_414, %add3A_418, %broadcast_in_dim3A_420 : vector<16xi1>, vector<16xf32>
      %select_n3A_422 = arith.select %eq3A_407, %add3A_411, %select_n3A_421 : vector<16xi1>, vector<16xf32>
      %mul3A_423 = arith.constant 16 : i32
      %mul3A_424 = arith.muli %scan3A_22, %mul3A_423 : i32
      %add3A_425 = arith.constant 14 : i32
      %add3A_426 = arith.addi %mul3A_424, %add3A_425 : i32
      %swap3A_427 = arith.index_cast %add3A_426 : i32 to index
      %swap3A_428 = arith.constant 0 : index
      %swap3A_429 = tpu.vector_load %arg11[%swap3A_427, %swap3A_428] {strides = array<i32>} : memref<128x128xf32, #tpu.memory_space<vmem>>, vector<1x16xf32>,
      %swap3A_430 = vector.shape_cast %swap3A_429 : vector<1x16xf32> to vector<16xf32>
      %swap3A_431 = vector.shape_cast %select_n3A_422 : vector<16xf32> to vector<1x16xf32>
      tpu.vector_store %arg11[%swap3A_427, %swap3A_428], %swap3A_431 {strides = array<i32>} : memref<128x128xf32, #tpu.memory_space<vmem>>, vector<1x16xf32>,
      %eq3A_432 = arith.constant 0 : i32
      %eq3A_433 = vector.broadcast %eq3A_432 : i32 to vector<16xi32>
      %eq3A_434 = arith.cmpi eq, %iota3A, %eq3A_433 : vector<16xi32>
      %slice3A_435 = vector.extract_strided_slice %get3A_27 {offsets = [15], sizes = [1], strides = [1]} : vector<16xf32> to vector<1xf32>
      %squeeze3A_436 = vector.extract %slice3A_435[0] : f32 from vector<1xf32>
      %add3A_437 = vector.broadcast %squeeze3A_436 : f32 to vector<16xf32>
      %add3A_438 = arith.addf %broadcast_in_dim3A_1, %add3A_437 : vector<16xf32>
      %eq3A_439 = arith.constant 1 : i32
      %eq3A_440 = vector.broadcast %eq3A_439 : i32 to vector<16xi32>
      %eq3A_441 = arith.cmpi eq, %iota3A, %eq3A_440 : vector<16xi32>
      %slice3A_442 = vector.extract_strided_slice %get3A_32 {offsets = [15], sizes = [1], strides = [1]} : vector<16xf32> to vector<1xf32>
      %squeeze3A_443 = vector.extract %slice3A_442[0] : f32 from vector<1xf32>
      %add3A_444 = vector.broadcast %squeeze3A_443 : f32 to vector<16xf32>
      %add3A_445 = arith.addf %broadcast_in_dim3A_1, %add3A_444 : vector<16xf32>
      %jit3A_446 = arith.constant 0.000000e+00 : f32
      %broadcast_in_dim3A_447 = vector.broadcast %jit3A_446 : f32 to vector<16xf32>
      %select_n3A_448 = arith.select %eq3A_441, %add3A_445, %broadcast_in_dim3A_447 : vector<16xi1>, vector<16xf32>
      %select_n3A_449 = arith.select %eq3A_434, %add3A_438, %select_n3A_448 : vector<16xi1>, vector<16xf32>
      %mul3A_450 = arith.constant 16 : i32
      %mul3A_451 = arith.muli %scan3A_22, %mul3A_450 : i32
      %add3A_452 = arith.constant 15 : i32
      %add3A_453 = arith.addi %mul3A_451, %add3A_452 : i32
      %swap3A_454 = arith.index_cast %add3A_453 : i32 to index
      %swap3A_455 = arith.constant 0 : index
      %swap3A_456 = tpu.vector_load %arg11[%swap3A_454, %swap3A_455] {strides = array<i32>} : memref<128x128xf32, #tpu.memory_space<vmem>>, vector<1x16xf32>,
      %swap3A_457 = vector.shape_cast %swap3A_456 : vector<1x16xf32> to vector<16xf32>
      %swap3A_458 = vector.shape_cast %select_n3A_449 : vector<16xf32> to vector<1x16xf32>
      tpu.vector_store %arg11[%swap3A_454, %swap3A_455], %swap3A_458 {strides = array<i32>} : memref<128x128xf32, #tpu.memory_space<vmem>>, vector<1x16xf32>,
      %scan3A_459 = arith.constant 0 : i32
      scf.yield %scan3A_459 : i32
    }
    %scan3A_13 = arith.constant 8 : i32
    %dma_start3A_14 = arith.constant 0 : i32
    %dma_start3A_15 = arith.constant 0 : i32
    %dma_start3A_16 = tpu.memref_slice %arg6[%dma_start3A_14, %dma_start3A_15] : memref<5888x128xf32, #tpu.memory_space<hbm>> -> memref<5888x128xf32, #tpu.memory_space<hbm>>
    tpu.enqueue_indirect_dma source(%arg11 : memref<128x128xf32, #tpu.memory_space<vmem>>) target(%dma_start3A_16 : memref<5888x128xf32, #tpu.memory_space<hbm>>) offsets(%arg7 : memref<128xi32, #tpu.memory_space<vmem>>) semaphore(%arg12 : memref<!tpu.dma_semaphore, #tpu.memory_space<semaphore_mem>>)
    %dma_wait3A = arith.constant 0 : i32
    %dma_wait3A_17 = arith.constant 0 : i32
    %dma_wait3A_18 = tpu.memref_slice %arg5[%dma_wait3A, %dma_wait3A_17] : memref<5888x768xf32, #tpu.memory_space<hbm>> -> memref<5888x768xf32, #tpu.memory_space<hbm>>
    tpu.wait_indirect_dma semaphore(%arg12 : memref<!tpu.dma_semaphore, #tpu.memory_space<semaphore_mem>>) src(%arg8 : memref<128x768xf32, #tpu.memory_space<vmem>>) dst(%dma_wait3A_18 : memref<5888x768xf32, #tpu.memory_space<hbm>>)
    %dma_wait3A_19 = arith.constant 0 : i32
    %dma_wait3A_20 = arith.constant 0 : i32
    %dma_wait3A_21 = tpu.memref_slice %arg6[%dma_wait3A_19, %dma_wait3A_20] : memref<5888x128xf32, #tpu.memory_space<hbm>> -> memref<5888x128xf32, #tpu.memory_space<hbm>>
    tpu.wait_indirect_dma semaphore(%arg12 : memref<!tpu.dma_semaphore, #tpu.memory_space<semaphore_mem>>) src(%arg11 : memref<128x128xf32, #tpu.memory_space<vmem>>) dst(%dma_wait3A_21 : memref<5888x128xf32, #tpu.memory_space<hbm>>)
    return
  }
}

#map = affine_map<(d0, d1) -> (0, 0)>
module attributes {stable_mosaic.version = 14 : i64} {
  func.func @_combine_body(%arg0: i32, %arg1: i32, %arg2: memref<5888x768xf32, #tpu.memory_space<hbm>>, %arg3: memref<8x4096xi32, #tpu.memory_space<hbm>>, %arg4: memref<4096x768xf32, #tpu.memory_space<hbm>>, %arg5: memref<128xi32, #tpu.memory_space<vmem>>, %arg6: memref<128x768xf32, #tpu.memory_space<vmem>>, %arg7: memref<!tpu.dma_semaphore, #tpu.memory_space<semaphore_mem>>) attributes {dimension_semantics = [#tpu.dimension_semantics<core_parallel>, #tpu.dimension_semantics<subcore_parallel>], iteration_bounds = array<i64: 2, 16>, scalar_prefetch = 0 : i64, scratch_operands = 3 : i64, tpu.core_type = #tpu.core_type<sc_vector_subcore>, window_params = [{transform_indices = #map}, {transform_indices = #map}, {transform_indices = #map}]} {
    %mul3A = arith.constant 2 : i32
    %mul3A_0 = arith.muli %arg1, %mul3A : i32
    %add3A = arith.addi %mul3A_0, %arg0 : i32
    %mul3A_1 = arith.constant 128 : i32
    %mul3A_2 = arith.muli %add3A, %mul3A_1 : i32
    %run_scoped3A = arith.constant 0 : i32
    "tpu.region"() ({
      %run_scoped3A_7 = tpu.sem_alloc : memref<!tpu.dma_semaphore, #tpu.memory_space<semaphore_mem>>
      %dma_start3A_8 = tpu.memref_slice %arg3[%run_scoped3A, %mul3A_2] : memref<8x4096xi32, #tpu.memory_space<hbm>> -> memref<1x128xi32, #tpu.memory_space<hbm>>
      %dma_start3A_9 = tpu.memref_squeeze %dma_start3A_8 : memref<1x128xi32, #tpu.memory_space<hbm>> -> memref<128xi32, #tpu.memory_space<hbm>>
      %dma_start3A_10 = tpu.memref_slice %arg3[%run_scoped3A, %mul3A_2] : memref<8x4096xi32, #tpu.memory_space<hbm>> -> memref<1x128xi32, #tpu.memory_space<hbm>>
      %dma_start3A_11 = tpu.memref_squeeze %dma_start3A_10 : memref<1x128xi32, #tpu.memory_space<hbm>> -> memref<128xi32, #tpu.memory_space<hbm>>
      tpu.enqueue_dma source(%dma_start3A_11 : memref<128xi32, #tpu.memory_space<hbm>>) target(%arg5 : memref<128xi32, #tpu.memory_space<vmem>>) target_semaphore(%run_scoped3A_7 : memref<!tpu.dma_semaphore, #tpu.memory_space<semaphore_mem>>)
      %dma_wait3A_12 = tpu.memref_slice %arg3[%run_scoped3A, %mul3A_2] : memref<8x4096xi32, #tpu.memory_space<hbm>> -> memref<1x128xi32, #tpu.memory_space<hbm>>
      %dma_wait3A_13 = tpu.memref_squeeze %dma_wait3A_12 : memref<1x128xi32, #tpu.memory_space<hbm>> -> memref<128xi32, #tpu.memory_space<hbm>>
      %dma_wait3A_14 = tpu.memref_slice %arg3[%run_scoped3A, %mul3A_2] : memref<8x4096xi32, #tpu.memory_space<hbm>> -> memref<1x128xi32, #tpu.memory_space<hbm>>
      %dma_wait3A_15 = tpu.memref_squeeze %dma_wait3A_14 : memref<1x128xi32, #tpu.memory_space<hbm>> -> memref<128xi32, #tpu.memory_space<hbm>>
      tpu.wait_dma2 semaphore(%run_scoped3A_7 : memref<!tpu.dma_semaphore, #tpu.memory_space<semaphore_mem>>) src(%dma_wait3A_15 : memref<128xi32, #tpu.memory_space<hbm>>) dst(%arg5 : memref<128xi32, #tpu.memory_space<vmem>>)
      tpu.yield
    }) : () -> ()
    %dma_start3A = arith.constant 0 : i32
    %dma_start3A_3 = arith.constant 0 : i32
    %dma_start3A_4 = tpu.memref_slice %arg2[%dma_start3A, %dma_start3A_3] : memref<5888x768xf32, #tpu.memory_space<hbm>> -> memref<5888x768xf32, #tpu.memory_space<hbm>>
    tpu.enqueue_indirect_dma source(%dma_start3A_4 : memref<5888x768xf32, #tpu.memory_space<hbm>>) target(%arg6 : memref<128x768xf32, #tpu.memory_space<vmem>>) offsets(%arg5 : memref<128xi32, #tpu.memory_space<vmem>>) semaphore(%arg7 : memref<!tpu.dma_semaphore, #tpu.memory_space<semaphore_mem>>)
    %dma_wait3A = arith.constant 0 : i32
    %dma_wait3A_5 = arith.constant 0 : i32
    %dma_wait3A_6 = tpu.memref_slice %arg2[%dma_wait3A, %dma_wait3A_5] : memref<5888x768xf32, #tpu.memory_space<hbm>> -> memref<5888x768xf32, #tpu.memory_space<hbm>>
    tpu.wait_indirect_dma semaphore(%arg7 : memref<!tpu.dma_semaphore, #tpu.memory_space<semaphore_mem>>) src(%dma_wait3A_6 : memref<5888x768xf32, #tpu.memory_space<hbm>>) dst(%arg6 : memref<128x768xf32, #tpu.memory_space<vmem>>)
    "tpu.region"() ({
      %run_scoped3A_7 = tpu.sem_alloc : memref<!tpu.dma_semaphore, #tpu.memory_space<semaphore_mem>>
      %dma_start3A_8 = arith.constant 0 : i32
      %dma_start3A_9 = tpu.memref_slice %arg4[%mul3A_2, %dma_start3A_8] : memref<4096x768xf32, #tpu.memory_space<hbm>> -> memref<128x768xf32, #tpu.memory_space<hbm>>
      %dma_start3A_10 = arith.constant 0 : i32
      %dma_start3A_11 = tpu.memref_slice %arg4[%mul3A_2, %dma_start3A_10] : memref<4096x768xf32, #tpu.memory_space<hbm>> -> memref<128x768xf32, #tpu.memory_space<hbm>>
      tpu.enqueue_dma source(%arg6 : memref<128x768xf32, #tpu.memory_space<vmem>>) target(%dma_start3A_11 : memref<128x768xf32, #tpu.memory_space<hbm>>) target_semaphore(%run_scoped3A_7 : memref<!tpu.dma_semaphore, #tpu.memory_space<semaphore_mem>>)
      %dma_wait3A_12 = arith.constant 0 : i32
      %dma_wait3A_13 = tpu.memref_slice %arg4[%mul3A_2, %dma_wait3A_12] : memref<4096x768xf32, #tpu.memory_space<hbm>> -> memref<128x768xf32, #tpu.memory_space<hbm>>
      %dma_wait3A_14 = arith.constant 0 : i32
      %dma_wait3A_15 = tpu.memref_slice %arg4[%mul3A_2, %dma_wait3A_14] : memref<4096x768xf32, #tpu.memory_space<hbm>> -> memref<128x768xf32, #tpu.memory_space<hbm>>
      tpu.wait_dma2 semaphore(%run_scoped3A_7 : memref<!tpu.dma_semaphore, #tpu.memory_space<semaphore_mem>>) src(%arg6 : memref<128x768xf32, #tpu.memory_space<vmem>>) dst(%dma_wait3A_15 : memref<128x768xf32, #tpu.memory_space<hbm>>)
      tpu.yield
    }) : () -> ()
    return
  }
}

module attributes {stable_mosaic.version = 14 : i64} {
  func.func @_gemm_body(%arg0: i32, %arg1: memref<92x8xi32, #tpu.memory_space<smem>>, %arg2: memref<64x768xf32, #tpu.memory_space<vmem>>, %arg3: memref<8x768x768xf32, #tpu.memory_space<vmem>>, %arg4: memref<8x768xf32, #tpu.memory_space<vmem>>, %arg5: memref<64x128xf32, #tpu.memory_space<vmem>>, %arg6: memref<64x768xf32, #tpu.memory_space<vmem>>, %arg7: memref<8x768x768xbf16, #tpu.memory_space<vmem>>) attributes {dimension_semantics = [#tpu.dimension_semantics<arbitrary>], iteration_bounds = array<i64: 92>, scalar_prefetch = 1 : i64, scratch_operands = 1 : i64, tpu.core_type = #tpu.core_type<tc>, window_params = [{transform_indices = @transform_0, window_bounds = array<i64: 64, 768>}, {pipeline_mode = #tpu.pipeline_mode<synchronous>, transform_indices = @transform_1, window_bounds = array<i64: 8, 768, 768>}, {pipeline_mode = #tpu.pipeline_mode<synchronous>, transform_indices = @transform_2, window_bounds = array<i64: 8, 768>}, {transform_indices = @transform_3, window_bounds = array<i64: 64, 128>}, {transform_indices = @transform_4, window_bounds = array<i64: 64, 768>}]} {
    %eq3A = arith.constant 0 : i32
    %eq3A_0 = arith.cmpi eq, %arg0, %eq3A : i32
    %convert_element_type3A = arith.extui %eq3A_0 : i1 to i32
    %cond3A = arith.constant 0 : i32
    %cond3A_1 = arith.cmpi ne, %convert_element_type3A, %cond3A : i32
    scf.if %cond3A_1 {
      %get3A_48 = arith.constant 0 : index
      %get3A_49 = arith.constant 0 : index
      %get3A_50 = arith.constant 0 : index
      %get3A_51 = vector.load %arg3[%get3A_48, %get3A_49, %get3A_50] : memref<8x768x768xf32, #tpu.memory_space<vmem>>, vector<8x768x768xf32>
      %convert_element_type3A_52 = arith.truncf %get3A_51 : vector<8x768x768xf32> to vector<8x768x768xbf16>
      %swap3A_53 = arith.constant 0 : index
      %swap3A_54 = arith.constant 0 : index
      %swap3A_55 = arith.constant 0 : index
      %swap3A_56 = vector.load %arg7[%swap3A_53, %swap3A_54, %swap3A_55] : memref<8x768x768xbf16, #tpu.memory_space<vmem>>, vector<8x768x768xbf16>
      tpu.vector_store %arg7[%swap3A_53, %swap3A_54, %swap3A_55], %convert_element_type3A_52 {strides = array<i32>} : memref<8x768x768xbf16, #tpu.memory_space<vmem>>, vector<8x768x768xbf16>,
    } else {
    }
    %get3A = arith.index_cast %arg0 : i32 to index
    %get3A_2 = arith.constant 0 : index
    %get3A_3 = memref.load %arg1[%get3A, %get3A_2] : memref<92x8xi32, #tpu.memory_space<smem>>
    %get3A_4 = arith.index_cast %arg0 : i32 to index
    %get3A_5 = arith.constant 1 : index
    %get3A_6 = memref.load %arg1[%get3A_4, %get3A_5] : memref<92x8xi32, #tpu.memory_space<smem>>
    %get3A_7 = arith.constant 0 : index
    %get3A_8 = arith.constant 0 : index
    %get3A_9 = vector.load %arg2[%get3A_7, %get3A_8] : memref<64x768xf32, #tpu.memory_space<vmem>>, vector<64x768xf32>
    %convert_element_type3A_10 = arith.truncf %get3A_9 : vector<64x768xf32> to vector<64x768xbf16>
    %get3A_11 = arith.index_cast %get3A_3 : i32 to index
    %get3A_12 = arith.constant 0 : index
    %get3A_13 = arith.constant 0 : index
    %get3A_14 = vector.load %arg7[%get3A_11, %get3A_12, %get3A_13] : memref<8x768x768xbf16, #tpu.memory_space<vmem>>, vector<1x768x768xbf16>
    %get3A_15 = vector.shape_cast %get3A_14 : vector<1x768x768xbf16> to vector<768x768xbf16>
    %dot_general3A = arith.constant dense<0.000000e+00> : vector<64x768xf32>
    %dot_general3A_16 = tpu.matmul %convert_element_type3A_10, %get3A_15, %dot_general3A {dimension_numbers = #tpu.dot_dimension_numbers<[1], [0], [0], [1], [0, 0, 1, 1], [], []>, transpose_lhs_hint = false} : vector<64x768xbf16>, vector<768x768xbf16>, vector<64x768xf32> -> vector<64x768xf32>
    %get3A_17 = arith.index_cast %get3A_6 : i32 to index
    %get3A_18 = arith.constant 0 : index
    %get3A_19 = arith.constant 0 : index
    %get3A_20 = vector.load %arg7[%get3A_17, %get3A_18, %get3A_19] : memref<8x768x768xbf16, #tpu.memory_space<vmem>>, vector<1x768x768xbf16>
    %get3A_21 = vector.shape_cast %get3A_20 : vector<1x768x768xbf16> to vector<768x768xbf16>
    %dot_general3A_22 = arith.constant dense<0.000000e+00> : vector<64x768xf32>
    %dot_general3A_23 = tpu.matmul %convert_element_type3A_10, %get3A_21, %dot_general3A_22 {dimension_numbers = #tpu.dot_dimension_numbers<[1], [0], [0], [1], [0, 0, 1, 1], [], []>, transpose_lhs_hint = false} : vector<64x768xbf16>, vector<768x768xbf16>, vector<64x768xf32> -> vector<64x768xf32>
    %get3A_24 = arith.constant 0 : index
    %get3A_25 = arith.constant 0 : index
    %get3A_26 = vector.load %arg5[%get3A_24, %get3A_25] : memref<64x128xf32, #tpu.memory_space<vmem>>, vector<64x1xf32>
    %get3A_27 = arith.index_cast %get3A_3 : i32 to index
    %get3A_28 = arith.constant 0 : index
    %get3A_29 = vector.load %arg4[%get3A_27, %get3A_28] : memref<8x768xf32, #tpu.memory_space<vmem>>, vector<1x768xf32>
    %get3A_30 = vector.shape_cast %get3A_29 : vector<1x768xf32> to vector<768xf32>
    %broadcast_in_dim3A = vector.shape_cast %get3A_30 : vector<768xf32> to vector<1x768xf32>
    %add3A = vector.broadcast %broadcast_in_dim3A : vector<1x768xf32> to vector<64x768xf32>
    %add3A_31 = arith.addf %dot_general3A_16, %add3A : vector<64x768xf32>
    %mul3A = vector.broadcast %get3A_26 : vector<64x1xf32> to vector<64x768xf32>
    %mul3A_32 = arith.mulf %mul3A, %add3A_31 : vector<64x768xf32>
    %get3A_33 = arith.constant 0 : index
    %get3A_34 = arith.constant 1 : index
    %get3A_35 = vector.load %arg5[%get3A_33, %get3A_34] : memref<64x128xf32, #tpu.memory_space<vmem>>, vector<64x1xf32>
    %get3A_36 = arith.index_cast %get3A_6 : i32 to index
    %get3A_37 = arith.constant 0 : index
    %get3A_38 = vector.load %arg4[%get3A_36, %get3A_37] : memref<8x768xf32, #tpu.memory_space<vmem>>, vector<1x768xf32>
    %get3A_39 = vector.shape_cast %get3A_38 : vector<1x768xf32> to vector<768xf32>
    %broadcast_in_dim3A_40 = vector.shape_cast %get3A_39 : vector<768xf32> to vector<1x768xf32>
    %add3A_41 = vector.broadcast %broadcast_in_dim3A_40 : vector<1x768xf32> to vector<64x768xf32>
    %add3A_42 = arith.addf %dot_general3A_23, %add3A_41 : vector<64x768xf32>
    %mul3A_43 = vector.broadcast %get3A_35 : vector<64x1xf32> to vector<64x768xf32>
    %mul3A_44 = arith.mulf %mul3A_43, %add3A_42 : vector<64x768xf32>
    %add3A_45 = arith.addf %mul3A_32, %mul3A_44 : vector<64x768xf32>
    %swap3A = arith.constant 0 : index
    %swap3A_46 = arith.constant 0 : index
    %swap3A_47 = vector.load %arg6[%swap3A, %swap3A_46] : memref<64x768xf32, #tpu.memory_space<vmem>>, vector<64x768xf32>
    tpu.vector_store %arg6[%swap3A, %swap3A_46], %add3A_45 {strides = array<i32>} : memref<64x768xf32, #tpu.memory_space<vmem>>, vector<64x768xf32>,
    return
  }
  func.func @transform_0(%arg0: i32, %arg1: memref<92x8xi32, #tpu.memory_space<smem>>) -> (i32, i32) {
    %c0_i32 = arith.constant 0 : i32
    %c0_i32_0 = arith.constant 0 : i32
    return %arg0, %c0_i32 : i32, i32
  }
  func.func @transform_1(%arg0: i32, %arg1: memref<92x8xi32, #tpu.memory_space<smem>>) -> (i32, i32, i32) {
    %c0_i32 = arith.constant 0 : i32
    %c0_i32_0 = arith.constant 0 : i32
    %c0_i32_1 = arith.constant 0 : i32
    %c0_i32_2 = arith.constant 0 : i32
    return %c0_i32, %c0_i32_0, %c0_i32_1 : i32, i32, i32
  }
  func.func @transform_2(%arg0: i32, %arg1: memref<92x8xi32, #tpu.memory_space<smem>>) -> (i32, i32) {
    %c0_i32 = arith.constant 0 : i32
    %c0_i32_0 = arith.constant 0 : i32
    %c0_i32_1 = arith.constant 0 : i32
    return %c0_i32, %c0_i32_0 : i32, i32
  }
  func.func @transform_3(%arg0: i32, %arg1: memref<92x8xi32, #tpu.memory_space<smem>>) -> (i32, i32) {
    %c0_i32 = arith.constant 0 : i32
    %c0_i32_0 = arith.constant 0 : i32
    return %arg0, %c0_i32 : i32, i32
  }
  func.func @transform_4(%arg0: i32, %arg1: memref<92x8xi32, #tpu.memory_space<smem>>) -> (i32, i32) {
    %c0_i32 = arith.constant 0 : i32
    %c0_i32_0 = arith.constant 0 : i32
    return %arg0, %c0_i32 : i32, i32
  }
}

module attributes {stable_mosaic.version = 14 : i64} {
  func.func @_router_body(%arg0: memref<4096x768xf32, #tpu.memory_space<vmem>>, %arg1: memref<768x8xf32, #tpu.memory_space<vmem>>, %arg2: memref<1x8xf32, #tpu.memory_space<vmem>>, %arg3: memref<8x4096xi32, #tpu.memory_space<vmem>>, %arg4: memref<8x4096xf32, #tpu.memory_space<vmem>>, %arg5: memref<92x8xi32, #tpu.memory_space<vmem>>) attributes {dimension_semantics = [], scalar_prefetch = 0 : i64, scratch_operands = 0 : i64, tpu.core_type = #tpu.core_type<tc>} {
    %get3A = arith.constant 0 : index
    %get3A_0 = arith.constant 0 : index
    %get3A_1 = vector.load %arg0[%get3A, %get3A_0] : memref<4096x768xf32, #tpu.memory_space<vmem>>, vector<4096x768xf32>
    %get3A_2 = arith.constant 0 : index
    %get3A_3 = arith.constant 0 : index
    %get3A_4 = vector.load %arg1[%get3A_2, %get3A_3] : memref<768x8xf32, #tpu.memory_space<vmem>>, vector<768x8xf32>
    %dot_general3A = arith.constant dense<0.000000e+00> : vector<4096x8xf32>
    %dot_general3A_5 = tpu.matmul %get3A_1, %get3A_4, %dot_general3A {dimension_numbers = #tpu.dot_dimension_numbers<[1], [0], [0], [1], [0, 0, 1, 1], [], []>, transpose_lhs_hint = false} : vector<4096x768xf32>, vector<768x8xf32>, vector<4096x8xf32> -> vector<4096x8xf32>
    %get3A_6 = arith.constant 0 : index
    %get3A_7 = arith.constant 0 : index
    %get3A_8 = vector.load %arg2[%get3A_6, %get3A_7] : memref<1x8xf32, #tpu.memory_space<vmem>>, vector<1x8xf32>
    %add3A = vector.broadcast %get3A_8 : vector<1x8xf32> to vector<4096x8xf32>
    %add3A_9 = arith.addf %dot_general3A_5, %add3A : vector<4096x8xf32>
    %reduce_max3A = arith.constant dense<0xFF800000> : vector<4096xf32>
    %reduce_max3A_10 = vector.multi_reduction <maximumf>, %add3A_9, %reduce_max3A [1] : vector<4096x8xf32> to vector<4096xf32>
    %broadcast_in_dim3A = vector.shape_cast %reduce_max3A_10 : vector<4096xf32> to vector<4096x1xf32>
    %sub3A = vector.broadcast %broadcast_in_dim3A : vector<4096x1xf32> to vector<4096x8xf32>
    %sub3A_11 = arith.subf %add3A_9, %sub3A : vector<4096x8xf32>
    %exp3A = math.exp %sub3A_11 : vector<4096x8xf32>
    %reduce_sum3A = arith.constant dense<0.000000e+00> : vector<4096xf32>
    %reduce_sum3A_12 = vector.multi_reduction <add>, %exp3A, %reduce_sum3A [1] : vector<4096x8xf32> to vector<4096xf32>
    %broadcast_in_dim3A_13 = vector.shape_cast %reduce_sum3A_12 : vector<4096xf32> to vector<4096x1xf32>
    %div3A = vector.broadcast %broadcast_in_dim3A_13 : vector<4096x1xf32> to vector<4096x8xf32>
    %div3A_14 = arith.divf %exp3A, %div3A : vector<4096x8xf32>
    %iota3A = tpu.iota {dimensions = array<i32: 1>} : vector<4096x8xi32>
    %reduce_max3A_15 = arith.constant dense<0xFF800000> : vector<4096xf32>
    %reduce_max3A_16 = vector.multi_reduction <maximumf>, %div3A_14, %reduce_max3A_15 [1] : vector<4096x8xf32> to vector<4096xf32>
    %broadcast_in_dim3A_17 = vector.shape_cast %reduce_max3A_16 : vector<4096xf32> to vector<4096x1xf32>
    %ge3A = vector.broadcast %broadcast_in_dim3A_17 : vector<4096x1xf32> to vector<4096x8xf32>
    %ge3A_18 = arith.cmpf oge, %div3A_14, %ge3A : vector<4096x8xf32>
    %jit3A = arith.constant 8 : i32
    %broadcast_in_dim3A_19 = vector.broadcast %jit3A : i32 to vector<4096x8xi32>
    %select_n3A = arith.select %ge3A_18, %iota3A, %broadcast_in_dim3A_19 : vector<4096x8xi1>, vector<4096x8xi32>
    %reduce_min3A = arith.constant dense<2147483647> : vector<4096xi32>
    %reduce_min3A_20 = vector.multi_reduction <minsi>, %select_n3A, %reduce_min3A [1] : vector<4096x8xi32> to vector<4096xi32>
    %broadcast_in_dim3A_21 = vector.shape_cast %reduce_min3A_20 : vector<4096xi32> to vector<4096x1xi32>
    %eq3A = vector.broadcast %broadcast_in_dim3A_21 : vector<4096x1xi32> to vector<4096x8xi32>
    %eq3A_22 = arith.cmpi eq, %iota3A, %eq3A : vector<4096x8xi32>
    %jit3A_23 = arith.constant 0xFF800000 : f32
    %broadcast_in_dim3A_24 = vector.broadcast %jit3A_23 : f32 to vector<4096x8xf32>
    %select_n3A_25 = arith.select %eq3A_22, %broadcast_in_dim3A_24, %div3A_14 : vector<4096x8xi1>, vector<4096x8xf32>
    %reduce_max3A_26 = arith.constant dense<0xFF800000> : vector<4096xf32>
    %reduce_max3A_27 = vector.multi_reduction <maximumf>, %select_n3A_25, %reduce_max3A_26 [1] : vector<4096x8xf32> to vector<4096xf32>
    %broadcast_in_dim3A_28 = vector.shape_cast %reduce_max3A_27 : vector<4096xf32> to vector<4096x1xf32>
    %ge3A_29 = vector.broadcast %broadcast_in_dim3A_28 : vector<4096x1xf32> to vector<4096x8xf32>
    %ge3A_30 = arith.cmpf oge, %select_n3A_25, %ge3A_29 : vector<4096x8xf32>
    %jit3A_31 = arith.constant 8 : i32
    %broadcast_in_dim3A_32 = vector.broadcast %jit3A_31 : i32 to vector<4096x8xi32>
    %select_n3A_33 = arith.select %ge3A_30, %iota3A, %broadcast_in_dim3A_32 : vector<4096x8xi1>, vector<4096x8xi32>
    %reduce_min3A_34 = arith.constant dense<2147483647> : vector<4096xi32>
    %reduce_min3A_35 = vector.multi_reduction <minsi>, %select_n3A_33, %reduce_min3A_34 [1] : vector<4096x8xi32> to vector<4096xi32>
    %broadcast_in_dim3A_36 = vector.shape_cast %reduce_min3A_35 : vector<4096xi32> to vector<4096x1xi32>
    %min3A = arith.minsi %broadcast_in_dim3A_21, %broadcast_in_dim3A_36 : vector<4096x1xi32>
    %max3A = arith.maxsi %broadcast_in_dim3A_21, %broadcast_in_dim3A_36 : vector<4096x1xi32>
    %lt3A = arith.cmpi slt, %broadcast_in_dim3A_21, %broadcast_in_dim3A_36 : vector<4096x1xi32>
    %select_n3A_37 = arith.select %lt3A, %broadcast_in_dim3A_17, %broadcast_in_dim3A_28 : vector<4096x1xi1>, vector<4096x1xf32>
    %lt3A_38 = arith.cmpi slt, %broadcast_in_dim3A_21, %broadcast_in_dim3A_36 : vector<4096x1xi32>
    %select_n3A_39 = arith.select %lt3A_38, %broadcast_in_dim3A_28, %broadcast_in_dim3A_17 : vector<4096x1xi1>, vector<4096x1xf32>
    %mul3A = arith.constant 8 : i32
    %mul3A_40 = vector.broadcast %mul3A : i32 to vector<4096x1xi32>
    %mul3A_41 = arith.muli %min3A, %mul3A_40 : vector<4096x1xi32>
    %add3A_42 = arith.addi %mul3A_41, %max3A : vector<4096x1xi32>
    %iota3A_43 = tpu.iota {dimensions = array<i32: 1>} : vector<4096x64xi32>
    %eq3A_44 = vector.broadcast %add3A_42 : vector<4096x1xi32> to vector<4096x64xi32>
    %eq3A_45 = arith.cmpi eq, %iota3A_43, %eq3A_44 : vector<4096x64xi32>
    %convert_element_type3A = arith.extui %eq3A_45 : vector<4096x64xi1> to vector<4096x64xi32>
    %convert_element_type3A_46 = arith.sitofp %convert_element_type3A : vector<4096x64xi32> to vector<4096x64xf32>
    %iota3A_47 = tpu.iota {dimensions = array<i32: 0>} : vector<512x512xi32>
    %iota3A_48 = tpu.iota {dimensions = array<i32: 1>} : vector<512x512xi32>
    %lt3A_49 = arith.cmpi slt, %iota3A_48, %iota3A_47 : vector<512x512xi32>
    %convert_element_type3A_50 = arith.extui %lt3A_49 : vector<512x512xi1> to vector<512x512xi32>
    %convert_element_type3A_51 = arith.sitofp %convert_element_type3A_50 : vector<512x512xi32> to vector<512x512xf32>
    %broadcast_in_dim3A_52 = arith.constant 0.000000e+00 : f32
    %broadcast_in_dim3A_53 = vector.broadcast %broadcast_in_dim3A_52 : f32 to vector<1x64xf32>
    %slice3A = vector.extract_strided_slice %convert_element_type3A_46 {offsets = [0, 0], sizes = [512, 64], strides = [1, 1]} : vector<4096x64xf32> to vector<512x64xf32>
    %dot_general3A_54 = arith.constant dense<0.000000e+00> : vector<512x64xf32>
    %dot_general3A_55 = tpu.matmul %convert_element_type3A_51, %slice3A, %dot_general3A_54 {dimension_numbers = #tpu.dot_dimension_numbers<[1], [0], [0], [1], [0, 0, 1, 1], [], []>, transpose_lhs_hint = false} : vector<512x512xf32>, vector<512x64xf32>, vector<512x64xf32> -> vector<512x64xf32>
    %add3A_56 = vector.broadcast %broadcast_in_dim3A_53 : vector<1x64xf32> to vector<512x64xf32>
    %add3A_57 = arith.addf %dot_general3A_55, %add3A_56 : vector<512x64xf32>
    %reduce_sum3A_58 = arith.constant dense<0.000000e+00> : vector<64xf32>
    %reduce_sum3A_59 = vector.multi_reduction <add>, %slice3A, %reduce_sum3A_58 [0] : vector<512x64xf32> to vector<64xf32>
    %broadcast_in_dim3A_60 = vector.shape_cast %reduce_sum3A_59 : vector<64xf32> to vector<1x64xf32>
    %add3A_61 = arith.addf %broadcast_in_dim3A_53, %broadcast_in_dim3A_60 : vector<1x64xf32>
    %slice3A_62 = vector.extract_strided_slice %convert_element_type3A_46 {offsets = [512, 0], sizes = [512, 64], strides = [1, 1]} : vector<4096x64xf32> to vector<512x64xf32>
    %dot_general3A_63 = arith.constant dense<0.000000e+00> : vector<512x64xf32>
    %dot_general3A_64 = tpu.matmul %convert_element_type3A_51, %slice3A_62, %dot_general3A_63 {dimension_numbers = #tpu.dot_dimension_numbers<[1], [0], [0], [1], [0, 0, 1, 1], [], []>, transpose_lhs_hint = false} : vector<512x512xf32>, vector<512x64xf32>, vector<512x64xf32> -> vector<512x64xf32>
    %add3A_65 = vector.broadcast %add3A_61 : vector<1x64xf32> to vector<512x64xf32>
    %add3A_66 = arith.addf %dot_general3A_64, %add3A_65 : vector<512x64xf32>
    %reduce_sum3A_67 = arith.constant dense<0.000000e+00> : vector<64xf32>
    %reduce_sum3A_68 = vector.multi_reduction <add>, %slice3A_62, %reduce_sum3A_67 [0] : vector<512x64xf32> to vector<64xf32>
    %broadcast_in_dim3A_69 = vector.shape_cast %reduce_sum3A_68 : vector<64xf32> to vector<1x64xf32>
    %add3A_70 = arith.addf %add3A_61, %broadcast_in_dim3A_69 : vector<1x64xf32>
    %slice3A_71 = vector.extract_strided_slice %convert_element_type3A_46 {offsets = [1024, 0], sizes = [512, 64], strides = [1, 1]} : vector<4096x64xf32> to vector<512x64xf32>
    %dot_general3A_72 = arith.constant dense<0.000000e+00> : vector<512x64xf32>
    %dot_general3A_73 = tpu.matmul %convert_element_type3A_51, %slice3A_71, %dot_general3A_72 {dimension_numbers = #tpu.dot_dimension_numbers<[1], [0], [0], [1], [0, 0, 1, 1], [], []>, transpose_lhs_hint = false} : vector<512x512xf32>, vector<512x64xf32>, vector<512x64xf32> -> vector<512x64xf32>
    %add3A_74 = vector.broadcast %add3A_70 : vector<1x64xf32> to vector<512x64xf32>
    %add3A_75 = arith.addf %dot_general3A_73, %add3A_74 : vector<512x64xf32>
    %reduce_sum3A_76 = arith.constant dense<0.000000e+00> : vector<64xf32>
    %reduce_sum3A_77 = vector.multi_reduction <add>, %slice3A_71, %reduce_sum3A_76 [0] : vector<512x64xf32> to vector<64xf32>
    %broadcast_in_dim3A_78 = vector.shape_cast %reduce_sum3A_77 : vector<64xf32> to vector<1x64xf32>
    %add3A_79 = arith.addf %add3A_70, %broadcast_in_dim3A_78 : vector<1x64xf32>
    %slice3A_80 = vector.extract_strided_slice %convert_element_type3A_46 {offsets = [1536, 0], sizes = [512, 64], strides = [1, 1]} : vector<4096x64xf32> to vector<512x64xf32>
    %dot_general3A_81 = arith.constant dense<0.000000e+00> : vector<512x64xf32>
    %dot_general3A_82 = tpu.matmul %convert_element_type3A_51, %slice3A_80, %dot_general3A_81 {dimension_numbers = #tpu.dot_dimension_numbers<[1], [0], [0], [1], [0, 0, 1, 1], [], []>, transpose_lhs_hint = false} : vector<512x512xf32>, vector<512x64xf32>, vector<512x64xf32> -> vector<512x64xf32>
    %add3A_83 = vector.broadcast %add3A_79 : vector<1x64xf32> to vector<512x64xf32>
    %add3A_84 = arith.addf %dot_general3A_82, %add3A_83 : vector<512x64xf32>
    %reduce_sum3A_85 = arith.constant dense<0.000000e+00> : vector<64xf32>
    %reduce_sum3A_86 = vector.multi_reduction <add>, %slice3A_80, %reduce_sum3A_85 [0] : vector<512x64xf32> to vector<64xf32>
    %broadcast_in_dim3A_87 = vector.shape_cast %reduce_sum3A_86 : vector<64xf32> to vector<1x64xf32>
    %add3A_88 = arith.addf %add3A_79, %broadcast_in_dim3A_87 : vector<1x64xf32>
    %slice3A_89 = vector.extract_strided_slice %convert_element_type3A_46 {offsets = [2048, 0], sizes = [512, 64], strides = [1, 1]} : vector<4096x64xf32> to vector<512x64xf32>
    %dot_general3A_90 = arith.constant dense<0.000000e+00> : vector<512x64xf32>
    %dot_general3A_91 = tpu.matmul %convert_element_type3A_51, %slice3A_89, %dot_general3A_90 {dimension_numbers = #tpu.dot_dimension_numbers<[1], [0], [0], [1], [0, 0, 1, 1], [], []>, transpose_lhs_hint = false} : vector<512x512xf32>, vector<512x64xf32>, vector<512x64xf32> -> vector<512x64xf32>
    %add3A_92 = vector.broadcast %add3A_88 : vector<1x64xf32> to vector<512x64xf32>
    %add3A_93 = arith.addf %dot_general3A_91, %add3A_92 : vector<512x64xf32>
    %reduce_sum3A_94 = arith.constant dense<0.000000e+00> : vector<64xf32>
    %reduce_sum3A_95 = vector.multi_reduction <add>, %slice3A_89, %reduce_sum3A_94 [0] : vector<512x64xf32> to vector<64xf32>
    %broadcast_in_dim3A_96 = vector.shape_cast %reduce_sum3A_95 : vector<64xf32> to vector<1x64xf32>
    %add3A_97 = arith.addf %add3A_88, %broadcast_in_dim3A_96 : vector<1x64xf32>
    %slice3A_98 = vector.extract_strided_slice %convert_element_type3A_46 {offsets = [2560, 0], sizes = [512, 64], strides = [1, 1]} : vector<4096x64xf32> to vector<512x64xf32>
    %dot_general3A_99 = arith.constant dense<0.000000e+00> : vector<512x64xf32>
    %dot_general3A_100 = tpu.matmul %convert_element_type3A_51, %slice3A_98, %dot_general3A_99 {dimension_numbers = #tpu.dot_dimension_numbers<[1], [0], [0], [1], [0, 0, 1, 1], [], []>, transpose_lhs_hint = false} : vector<512x512xf32>, vector<512x64xf32>, vector<512x64xf32> -> vector<512x64xf32>
    %add3A_101 = vector.broadcast %add3A_97 : vector<1x64xf32> to vector<512x64xf32>
    %add3A_102 = arith.addf %dot_general3A_100, %add3A_101 : vector<512x64xf32>
    %reduce_sum3A_103 = arith.constant dense<0.000000e+00> : vector<64xf32>
    %reduce_sum3A_104 = vector.multi_reduction <add>, %slice3A_98, %reduce_sum3A_103 [0] : vector<512x64xf32> to vector<64xf32>
    %broadcast_in_dim3A_105 = vector.shape_cast %reduce_sum3A_104 : vector<64xf32> to vector<1x64xf32>
    %add3A_106 = arith.addf %add3A_97, %broadcast_in_dim3A_105 : vector<1x64xf32>
    %slice3A_107 = vector.extract_strided_slice %convert_element_type3A_46 {offsets = [3072, 0], sizes = [512, 64], strides = [1, 1]} : vector<4096x64xf32> to vector<512x64xf32>
    %dot_general3A_108 = arith.constant dense<0.000000e+00> : vector<512x64xf32>
    %dot_general3A_109 = tpu.matmul %convert_element_type3A_51, %slice3A_107, %dot_general3A_108 {dimension_numbers = #tpu.dot_dimension_numbers<[1], [0], [0], [1], [0, 0, 1, 1], [], []>, transpose_lhs_hint = false} : vector<512x512xf32>, vector<512x64xf32>, vector<512x64xf32> -> vector<512x64xf32>
    %add3A_110 = vector.broadcast %add3A_106 : vector<1x64xf32> to vector<512x64xf32>
    %add3A_111 = arith.addf %dot_general3A_109, %add3A_110 : vector<512x64xf32>
    %reduce_sum3A_112 = arith.constant dense<0.000000e+00> : vector<64xf32>
    %reduce_sum3A_113 = vector.multi_reduction <add>, %slice3A_107, %reduce_sum3A_112 [0] : vector<512x64xf32> to vector<64xf32>
    %broadcast_in_dim3A_114 = vector.shape_cast %reduce_sum3A_113 : vector<64xf32> to vector<1x64xf32>
    %add3A_115 = arith.addf %add3A_106, %broadcast_in_dim3A_114 : vector<1x64xf32>
    %slice3A_116 = vector.extract_strided_slice %convert_element_type3A_46 {offsets = [3584, 0], sizes = [512, 64], strides = [1, 1]} : vector<4096x64xf32> to vector<512x64xf32>
    %dot_general3A_117 = arith.constant dense<0.000000e+00> : vector<512x64xf32>
    %dot_general3A_118 = tpu.matmul %convert_element_type3A_51, %slice3A_116, %dot_general3A_117 {dimension_numbers = #tpu.dot_dimension_numbers<[1], [0], [0], [1], [0, 0, 1, 1], [], []>, transpose_lhs_hint = false} : vector<512x512xf32>, vector<512x64xf32>, vector<512x64xf32> -> vector<512x64xf32>
    %add3A_119 = vector.broadcast %add3A_115 : vector<1x64xf32> to vector<512x64xf32>
    %add3A_120 = arith.addf %dot_general3A_118, %add3A_119 : vector<512x64xf32>
    %reduce_sum3A_121 = arith.constant dense<0.000000e+00> : vector<64xf32>
    %reduce_sum3A_122 = vector.multi_reduction <add>, %slice3A_116, %reduce_sum3A_121 [0] : vector<512x64xf32> to vector<64xf32>
    %broadcast_in_dim3A_123 = vector.shape_cast %reduce_sum3A_122 : vector<64xf32> to vector<1x64xf32>
    %add3A_124 = arith.addf %add3A_115, %broadcast_in_dim3A_123 : vector<1x64xf32>
    %convert_element_type3A_125 = arith.fptosi %add3A_124 : vector<1x64xf32> to vector<1x64xi32>
    %add3A_126 = arith.constant 63 : i32
    %add3A_127 = vector.broadcast %add3A_126 : i32 to vector<1x64xi32>
    %add3A_128 = arith.addi %convert_element_type3A_125, %add3A_127 : vector<1x64xi32>
    %jit3A_129 = arith.constant 64 : i32
    %div3A_130 = vector.broadcast %jit3A_129 : i32 to vector<1x64xi32>
    %div3A_131 = arith.divsi %add3A_128, %div3A_130 : vector<1x64xi32>
    %sign3A = arith.constant 0 : i32
    %sign3A_132 = vector.broadcast %sign3A : i32 to vector<1x64xi32>
    %sign3A_133 = arith.cmpi sgt, %add3A_128, %sign3A_132 : vector<1x64xi32>
    %sign3A_134 = arith.extui %sign3A_133 : vector<1x64xi1> to vector<1x64xi32>
    %sign3A_135 = arith.constant 0 : i32
    %sign3A_136 = vector.broadcast %sign3A_135 : i32 to vector<1x64xi32>
    %sign3A_137 = arith.cmpi slt, %add3A_128, %sign3A_136 : vector<1x64xi32>
    %sign3A_138 = arith.extui %sign3A_137 : vector<1x64xi1> to vector<1x64xi32>
    %sign3A_139 = arith.subi %sign3A_134, %sign3A_138 : vector<1x64xi32>
    %sign3A_140 = arith.constant 0 : i32
    %sign3A_141 = arith.cmpi sgt, %jit3A_129, %sign3A_140 : i32
    %sign3A_142 = arith.extui %sign3A_141 : i1 to i32
    %sign3A_143 = arith.constant 0 : i32
    %sign3A_144 = arith.cmpi slt, %jit3A_129, %sign3A_143 : i32
    %sign3A_145 = arith.extui %sign3A_144 : i1 to i32
    %sign3A_146 = arith.subi %sign3A_142, %sign3A_145 : i32
    %ne3A = vector.broadcast %sign3A_146 : i32 to vector<1x64xi32>
    %ne3A_147 = arith.cmpi ne, %sign3A_139, %ne3A : vector<1x64xi32>
    %rem3A = vector.broadcast %jit3A_129 : i32 to vector<1x64xi32>
    %rem3A_148 = arith.remsi %add3A_128, %rem3A : vector<1x64xi32>
    %ne3A_149 = arith.constant 0 : i32
    %ne3A_150 = vector.broadcast %ne3A_149 : i32 to vector<1x64xi32>
    %ne3A_151 = arith.cmpi ne, %rem3A_148, %ne3A_150 : vector<1x64xi32>
    %and3A = arith.andi %ne3A_147, %ne3A_151 : vector<1x64xi1>
    %sub3A_152 = arith.constant 1 : i32
    %sub3A_153 = vector.broadcast %sub3A_152 : i32 to vector<1x64xi32>
    %sub3A_154 = arith.subi %div3A_131, %sub3A_153 : vector<1x64xi32>
    %select_n3A_155 = arith.select %and3A, %sub3A_154, %div3A_131 : vector<1x64xi1>, vector<1x64xi32>
    %convert_element_type3A_156 = arith.sitofp %select_n3A_155 : vector<1x64xi32> to vector<1x64xf32>
    %iota3A_157 = tpu.iota {dimensions = array<i32: 0>} : vector<64x64xi32>
    %iota3A_158 = tpu.iota {dimensions = array<i32: 1>} : vector<64x64xi32>
    %lt3A_159 = arith.cmpi slt, %iota3A_157, %iota3A_158 : vector<64x64xi32>
    %convert_element_type3A_160 = arith.extui %lt3A_159 : vector<64x64xi1> to vector<64x64xi32>
    %convert_element_type3A_161 = arith.sitofp %convert_element_type3A_160 : vector<64x64xi32> to vector<64x64xf32>
    %dot_general3A_162 = arith.constant dense<0.000000e+00> : vector<1x64xf32>
    %dot_general3A_163 = tpu.matmul %convert_element_type3A_156, %convert_element_type3A_161, %dot_general3A_162 {dimension_numbers = #tpu.dot_dimension_numbers<[1], [0], [0], [1], [0, 0, 1, 1], [], []>, transpose_lhs_hint = false} : vector<1x64xf32>, vector<64x64xf32>, vector<1x64xf32> -> vector<1x64xf32>
    %mul3A_164 = arith.constant 6.400000e+01 : f32
    %mul3A_165 = vector.broadcast %mul3A_164 : f32 to vector<1x64xf32>
    %mul3A_166 = arith.mulf %dot_general3A_163, %mul3A_165 : vector<1x64xf32>
    %eq3A_167 = arith.cmpi eq, %iota3A_47, %iota3A_48 : vector<512x512xi32>
    %convert_element_type3A_168 = arith.extui %eq3A_167 : vector<512x512xi1> to vector<512x512xi32>
    %convert_element_type3A_169 = arith.sitofp %convert_element_type3A_168 : vector<512x512xi32> to vector<512x512xf32>
    %broadcast_in_dim3A_170 = arith.constant 0.000000e+00 : f32
    %broadcast_in_dim3A_171 = vector.broadcast %broadcast_in_dim3A_170 : f32 to vector<512x7xf32>
    %broadcast_in_dim3A_172 = arith.constant 0.000000e+00 : f32
    %broadcast_in_dim3A_173 = vector.broadcast %broadcast_in_dim3A_172 : f32 to vector<512x6xf32>
    %slice3A_174 = vector.extract_strided_slice %convert_element_type3A_46 {offsets = [0, 0], sizes = [512, 64], strides = [1, 1]} : vector<4096x64xf32> to vector<512x64xf32>
    %add3A_175 = vector.broadcast %mul3A_166 : vector<1x64xf32> to vector<512x64xf32>
    %add3A_176 = arith.addf %add3A_57, %add3A_175 : vector<512x64xf32>
    %mul3A_177 = arith.mulf %slice3A_174, %add3A_176 : vector<512x64xf32>
    %reduce_sum3A_178 = arith.constant dense<0.000000e+00> : vector<512xf32>
    %reduce_sum3A_179 = vector.multi_reduction <add>, %mul3A_177, %reduce_sum3A_178 [1] : vector<512x64xf32> to vector<512xf32>
    %broadcast_in_dim3A_180 = vector.shape_cast %reduce_sum3A_179 : vector<512xf32> to vector<512x1xf32>
    %concatenate3A = tpu.concatenate %broadcast_in_dim3A_180, %broadcast_in_dim3A_171 in 1 : vector<512x1xf32>, vector<512x7xf32> -> vector<512x8xf32>
    %slice3A_181 = vector.extract_strided_slice %select_n3A_37 {offsets = [0, 0], sizes = [512, 1], strides = [1, 1]} : vector<4096x1xf32> to vector<512x1xf32>
    %slice3A_182 = vector.extract_strided_slice %select_n3A_39 {offsets = [0, 0], sizes = [512, 1], strides = [1, 1]} : vector<4096x1xf32> to vector<512x1xf32>
    %concatenate3A_183 = tpu.concatenate %slice3A_181, %slice3A_182, %broadcast_in_dim3A_173 in 1 : vector<512x1xf32>, vector<512x1xf32>, vector<512x6xf32> -> vector<512x8xf32>
    %dot_general3A_184 = arith.constant dense<0.000000e+00> : vector<8x512xf32>
    %dot_general3A_185 = tpu.matmul %concatenate3A, %convert_element_type3A_169, %dot_general3A_184 {dimension_numbers = #tpu.dot_dimension_numbers<[0], [0], [1], [1], [0, 1, 1, 1], [], []>, precision = #tpu.contract_precision<fp32>, transpose_lhs_hint = false} : vector<512x8xf32>, vector<512x512xf32>, vector<8x512xf32> -> vector<8x512xf32>
    %dot_general3A_186 = arith.constant dense<0.000000e+00> : vector<8x512xf32>
    %dot_general3A_187 = tpu.matmul %concatenate3A_183, %convert_element_type3A_169, %dot_general3A_186 {dimension_numbers = #tpu.dot_dimension_numbers<[0], [0], [1], [1], [0, 1, 1, 1], [], []>, precision = #tpu.contract_precision<fp32>, transpose_lhs_hint = false} : vector<512x8xf32>, vector<512x512xf32>, vector<8x512xf32> -> vector<8x512xf32>
    %convert_element_type3A_188 = arith.fptosi %dot_general3A_185 : vector<8x512xf32> to vector<8x512xi32>
    %swap3A = arith.constant 0 : index
    %swap3A_189 = arith.constant 0 : index
    %swap3A_190 = vector.load %arg3[%swap3A, %swap3A_189] : memref<8x4096xi32, #tpu.memory_space<vmem>>, vector<8x512xi32>
    tpu.vector_store %arg3[%swap3A, %swap3A_189], %convert_element_type3A_188 {strides = array<i32>} : memref<8x4096xi32, #tpu.memory_space<vmem>>, vector<8x512xi32>,
    %swap3A_191 = arith.constant 0 : index
    %swap3A_192 = arith.constant 0 : index
    %swap3A_193 = vector.load %arg4[%swap3A_191, %swap3A_192] : memref<8x4096xf32, #tpu.memory_space<vmem>>, vector<8x512xf32>
    tpu.vector_store %arg4[%swap3A_191, %swap3A_192], %dot_general3A_187 {strides = array<i32>} : memref<8x4096xf32, #tpu.memory_space<vmem>>, vector<8x512xf32>,
    %slice3A_194 = vector.extract_strided_slice %convert_element_type3A_46 {offsets = [512, 0], sizes = [512, 64], strides = [1, 1]} : vector<4096x64xf32> to vector<512x64xf32>
    %add3A_195 = vector.broadcast %mul3A_166 : vector<1x64xf32> to vector<512x64xf32>
    %add3A_196 = arith.addf %add3A_66, %add3A_195 : vector<512x64xf32>
    %mul3A_197 = arith.mulf %slice3A_194, %add3A_196 : vector<512x64xf32>
    %reduce_sum3A_198 = arith.constant dense<0.000000e+00> : vector<512xf32>
    %reduce_sum3A_199 = vector.multi_reduction <add>, %mul3A_197, %reduce_sum3A_198 [1] : vector<512x64xf32> to vector<512xf32>
    %broadcast_in_dim3A_200 = vector.shape_cast %reduce_sum3A_199 : vector<512xf32> to vector<512x1xf32>
    %concatenate3A_201 = tpu.concatenate %broadcast_in_dim3A_200, %broadcast_in_dim3A_171 in 1 : vector<512x1xf32>, vector<512x7xf32> -> vector<512x8xf32>
    %slice3A_202 = vector.extract_strided_slice %select_n3A_37 {offsets = [512, 0], sizes = [512, 1], strides = [1, 1]} : vector<4096x1xf32> to vector<512x1xf32>
    %slice3A_203 = vector.extract_strided_slice %select_n3A_39 {offsets = [512, 0], sizes = [512, 1], strides = [1, 1]} : vector<4096x1xf32> to vector<512x1xf32>
    %concatenate3A_204 = tpu.concatenate %slice3A_202, %slice3A_203, %broadcast_in_dim3A_173 in 1 : vector<512x1xf32>, vector<512x1xf32>, vector<512x6xf32> -> vector<512x8xf32>
    %dot_general3A_205 = arith.constant dense<0.000000e+00> : vector<8x512xf32>
    %dot_general3A_206 = tpu.matmul %concatenate3A_201, %convert_element_type3A_169, %dot_general3A_205 {dimension_numbers = #tpu.dot_dimension_numbers<[0], [0], [1], [1], [0, 1, 1, 1], [], []>, precision = #tpu.contract_precision<fp32>, transpose_lhs_hint = false} : vector<512x8xf32>, vector<512x512xf32>, vector<8x512xf32> -> vector<8x512xf32>
    %dot_general3A_207 = arith.constant dense<0.000000e+00> : vector<8x512xf32>
    %dot_general3A_208 = tpu.matmul %concatenate3A_204, %convert_element_type3A_169, %dot_general3A_207 {dimension_numbers = #tpu.dot_dimension_numbers<[0], [0], [1], [1], [0, 1, 1, 1], [], []>, precision = #tpu.contract_precision<fp32>, transpose_lhs_hint = false} : vector<512x8xf32>, vector<512x512xf32>, vector<8x512xf32> -> vector<8x512xf32>
    %convert_element_type3A_209 = arith.fptosi %dot_general3A_206 : vector<8x512xf32> to vector<8x512xi32>
    %swap3A_210 = arith.constant 0 : index
    %swap3A_211 = arith.constant 512 : index
    %swap3A_212 = vector.load %arg3[%swap3A_210, %swap3A_211] : memref<8x4096xi32, #tpu.memory_space<vmem>>, vector<8x512xi32>
    tpu.vector_store %arg3[%swap3A_210, %swap3A_211], %convert_element_type3A_209 {strides = array<i32>} : memref<8x4096xi32, #tpu.memory_space<vmem>>, vector<8x512xi32>,
    %swap3A_213 = arith.constant 0 : index
    %swap3A_214 = arith.constant 512 : index
    %swap3A_215 = vector.load %arg4[%swap3A_213, %swap3A_214] : memref<8x4096xf32, #tpu.memory_space<vmem>>, vector<8x512xf32>
    tpu.vector_store %arg4[%swap3A_213, %swap3A_214], %dot_general3A_208 {strides = array<i32>} : memref<8x4096xf32, #tpu.memory_space<vmem>>, vector<8x512xf32>,
    %slice3A_216 = vector.extract_strided_slice %convert_element_type3A_46 {offsets = [1024, 0], sizes = [512, 64], strides = [1, 1]} : vector<4096x64xf32> to vector<512x64xf32>
    %add3A_217 = vector.broadcast %mul3A_166 : vector<1x64xf32> to vector<512x64xf32>
    %add3A_218 = arith.addf %add3A_75, %add3A_217 : vector<512x64xf32>
    %mul3A_219 = arith.mulf %slice3A_216, %add3A_218 : vector<512x64xf32>
    %reduce_sum3A_220 = arith.constant dense<0.000000e+00> : vector<512xf32>
    %reduce_sum3A_221 = vector.multi_reduction <add>, %mul3A_219, %reduce_sum3A_220 [1] : vector<512x64xf32> to vector<512xf32>
    %broadcast_in_dim3A_222 = vector.shape_cast %reduce_sum3A_221 : vector<512xf32> to vector<512x1xf32>
    %concatenate3A_223 = tpu.concatenate %broadcast_in_dim3A_222, %broadcast_in_dim3A_171 in 1 : vector<512x1xf32>, vector<512x7xf32> -> vector<512x8xf32>
    %slice3A_224 = vector.extract_strided_slice %select_n3A_37 {offsets = [1024, 0], sizes = [512, 1], strides = [1, 1]} : vector<4096x1xf32> to vector<512x1xf32>
    %slice3A_225 = vector.extract_strided_slice %select_n3A_39 {offsets = [1024, 0], sizes = [512, 1], strides = [1, 1]} : vector<4096x1xf32> to vector<512x1xf32>
    %concatenate3A_226 = tpu.concatenate %slice3A_224, %slice3A_225, %broadcast_in_dim3A_173 in 1 : vector<512x1xf32>, vector<512x1xf32>, vector<512x6xf32> -> vector<512x8xf32>
    %dot_general3A_227 = arith.constant dense<0.000000e+00> : vector<8x512xf32>
    %dot_general3A_228 = tpu.matmul %concatenate3A_223, %convert_element_type3A_169, %dot_general3A_227 {dimension_numbers = #tpu.dot_dimension_numbers<[0], [0], [1], [1], [0, 1, 1, 1], [], []>, precision = #tpu.contract_precision<fp32>, transpose_lhs_hint = false} : vector<512x8xf32>, vector<512x512xf32>, vector<8x512xf32> -> vector<8x512xf32>
    %dot_general3A_229 = arith.constant dense<0.000000e+00> : vector<8x512xf32>
    %dot_general3A_230 = tpu.matmul %concatenate3A_226, %convert_element_type3A_169, %dot_general3A_229 {dimension_numbers = #tpu.dot_dimension_numbers<[0], [0], [1], [1], [0, 1, 1, 1], [], []>, precision = #tpu.contract_precision<fp32>, transpose_lhs_hint = false} : vector<512x8xf32>, vector<512x512xf32>, vector<8x512xf32> -> vector<8x512xf32>
    %convert_element_type3A_231 = arith.fptosi %dot_general3A_228 : vector<8x512xf32> to vector<8x512xi32>
    %swap3A_232 = arith.constant 0 : index
    %swap3A_233 = arith.constant 1024 : index
    %swap3A_234 = vector.load %arg3[%swap3A_232, %swap3A_233] : memref<8x4096xi32, #tpu.memory_space<vmem>>, vector<8x512xi32>
    tpu.vector_store %arg3[%swap3A_232, %swap3A_233], %convert_element_type3A_231 {strides = array<i32>} : memref<8x4096xi32, #tpu.memory_space<vmem>>, vector<8x512xi32>,
    %swap3A_235 = arith.constant 0 : index
    %swap3A_236 = arith.constant 1024 : index
    %swap3A_237 = vector.load %arg4[%swap3A_235, %swap3A_236] : memref<8x4096xf32, #tpu.memory_space<vmem>>, vector<8x512xf32>
    tpu.vector_store %arg4[%swap3A_235, %swap3A_236], %dot_general3A_230 {strides = array<i32>} : memref<8x4096xf32, #tpu.memory_space<vmem>>, vector<8x512xf32>,
    %slice3A_238 = vector.extract_strided_slice %convert_element_type3A_46 {offsets = [1536, 0], sizes = [512, 64], strides = [1, 1]} : vector<4096x64xf32> to vector<512x64xf32>
    %add3A_239 = vector.broadcast %mul3A_166 : vector<1x64xf32> to vector<512x64xf32>
    %add3A_240 = arith.addf %add3A_84, %add3A_239 : vector<512x64xf32>
    %mul3A_241 = arith.mulf %slice3A_238, %add3A_240 : vector<512x64xf32>
    %reduce_sum3A_242 = arith.constant dense<0.000000e+00> : vector<512xf32>
    %reduce_sum3A_243 = vector.multi_reduction <add>, %mul3A_241, %reduce_sum3A_242 [1] : vector<512x64xf32> to vector<512xf32>
    %broadcast_in_dim3A_244 = vector.shape_cast %reduce_sum3A_243 : vector<512xf32> to vector<512x1xf32>
    %concatenate3A_245 = tpu.concatenate %broadcast_in_dim3A_244, %broadcast_in_dim3A_171 in 1 : vector<512x1xf32>, vector<512x7xf32> -> vector<512x8xf32>
    %slice3A_246 = vector.extract_strided_slice %select_n3A_37 {offsets = [1536, 0], sizes = [512, 1], strides = [1, 1]} : vector<4096x1xf32> to vector<512x1xf32>
    %slice3A_247 = vector.extract_strided_slice %select_n3A_39 {offsets = [1536, 0], sizes = [512, 1], strides = [1, 1]} : vector<4096x1xf32> to vector<512x1xf32>
    %concatenate3A_248 = tpu.concatenate %slice3A_246, %slice3A_247, %broadcast_in_dim3A_173 in 1 : vector<512x1xf32>, vector<512x1xf32>, vector<512x6xf32> -> vector<512x8xf32>
    %dot_general3A_249 = arith.constant dense<0.000000e+00> : vector<8x512xf32>
    %dot_general3A_250 = tpu.matmul %concatenate3A_245, %convert_element_type3A_169, %dot_general3A_249 {dimension_numbers = #tpu.dot_dimension_numbers<[0], [0], [1], [1], [0, 1, 1, 1], [], []>, precision = #tpu.contract_precision<fp32>, transpose_lhs_hint = false} : vector<512x8xf32>, vector<512x512xf32>, vector<8x512xf32> -> vector<8x512xf32>
    %dot_general3A_251 = arith.constant dense<0.000000e+00> : vector<8x512xf32>
    %dot_general3A_252 = tpu.matmul %concatenate3A_248, %convert_element_type3A_169, %dot_general3A_251 {dimension_numbers = #tpu.dot_dimension_numbers<[0], [0], [1], [1], [0, 1, 1, 1], [], []>, precision = #tpu.contract_precision<fp32>, transpose_lhs_hint = false} : vector<512x8xf32>, vector<512x512xf32>, vector<8x512xf32> -> vector<8x512xf32>
    %convert_element_type3A_253 = arith.fptosi %dot_general3A_250 : vector<8x512xf32> to vector<8x512xi32>
    %swap3A_254 = arith.constant 0 : index
    %swap3A_255 = arith.constant 1536 : index
    %swap3A_256 = vector.load %arg3[%swap3A_254, %swap3A_255] : memref<8x4096xi32, #tpu.memory_space<vmem>>, vector<8x512xi32>
    tpu.vector_store %arg3[%swap3A_254, %swap3A_255], %convert_element_type3A_253 {strides = array<i32>} : memref<8x4096xi32, #tpu.memory_space<vmem>>, vector<8x512xi32>,
    %swap3A_257 = arith.constant 0 : index
    %swap3A_258 = arith.constant 1536 : index
    %swap3A_259 = vector.load %arg4[%swap3A_257, %swap3A_258] : memref<8x4096xf32, #tpu.memory_space<vmem>>, vector<8x512xf32>
    tpu.vector_store %arg4[%swap3A_257, %swap3A_258], %dot_general3A_252 {strides = array<i32>} : memref<8x4096xf32, #tpu.memory_space<vmem>>, vector<8x512xf32>,
    %slice3A_260 = vector.extract_strided_slice %convert_element_type3A_46 {offsets = [2048, 0], sizes = [512, 64], strides = [1, 1]} : vector<4096x64xf32> to vector<512x64xf32>
    %add3A_261 = vector.broadcast %mul3A_166 : vector<1x64xf32> to vector<512x64xf32>
    %add3A_262 = arith.addf %add3A_93, %add3A_261 : vector<512x64xf32>
    %mul3A_263 = arith.mulf %slice3A_260, %add3A_262 : vector<512x64xf32>
    %reduce_sum3A_264 = arith.constant dense<0.000000e+00> : vector<512xf32>
    %reduce_sum3A_265 = vector.multi_reduction <add>, %mul3A_263, %reduce_sum3A_264 [1] : vector<512x64xf32> to vector<512xf32>
    %broadcast_in_dim3A_266 = vector.shape_cast %reduce_sum3A_265 : vector<512xf32> to vector<512x1xf32>
    %concatenate3A_267 = tpu.concatenate %broadcast_in_dim3A_266, %broadcast_in_dim3A_171 in 1 : vector<512x1xf32>, vector<512x7xf32> -> vector<512x8xf32>
    %slice3A_268 = vector.extract_strided_slice %select_n3A_37 {offsets = [2048, 0], sizes = [512, 1], strides = [1, 1]} : vector<4096x1xf32> to vector<512x1xf32>
    %slice3A_269 = vector.extract_strided_slice %select_n3A_39 {offsets = [2048, 0], sizes = [512, 1], strides = [1, 1]} : vector<4096x1xf32> to vector<512x1xf32>
    %concatenate3A_270 = tpu.concatenate %slice3A_268, %slice3A_269, %broadcast_in_dim3A_173 in 1 : vector<512x1xf32>, vector<512x1xf32>, vector<512x6xf32> -> vector<512x8xf32>
    %dot_general3A_271 = arith.constant dense<0.000000e+00> : vector<8x512xf32>
    %dot_general3A_272 = tpu.matmul %concatenate3A_267, %convert_element_type3A_169, %dot_general3A_271 {dimension_numbers = #tpu.dot_dimension_numbers<[0], [0], [1], [1], [0, 1, 1, 1], [], []>, precision = #tpu.contract_precision<fp32>, transpose_lhs_hint = false} : vector<512x8xf32>, vector<512x512xf32>, vector<8x512xf32> -> vector<8x512xf32>
    %dot_general3A_273 = arith.constant dense<0.000000e+00> : vector<8x512xf32>
    %dot_general3A_274 = tpu.matmul %concatenate3A_270, %convert_element_type3A_169, %dot_general3A_273 {dimension_numbers = #tpu.dot_dimension_numbers<[0], [0], [1], [1], [0, 1, 1, 1], [], []>, precision = #tpu.contract_precision<fp32>, transpose_lhs_hint = false} : vector<512x8xf32>, vector<512x512xf32>, vector<8x512xf32> -> vector<8x512xf32>
    %convert_element_type3A_275 = arith.fptosi %dot_general3A_272 : vector<8x512xf32> to vector<8x512xi32>
    %swap3A_276 = arith.constant 0 : index
    %swap3A_277 = arith.constant 2048 : index
    %swap3A_278 = vector.load %arg3[%swap3A_276, %swap3A_277] : memref<8x4096xi32, #tpu.memory_space<vmem>>, vector<8x512xi32>
    tpu.vector_store %arg3[%swap3A_276, %swap3A_277], %convert_element_type3A_275 {strides = array<i32>} : memref<8x4096xi32, #tpu.memory_space<vmem>>, vector<8x512xi32>,
    %swap3A_279 = arith.constant 0 : index
    %swap3A_280 = arith.constant 2048 : index
    %swap3A_281 = vector.load %arg4[%swap3A_279, %swap3A_280] : memref<8x4096xf32, #tpu.memory_space<vmem>>, vector<8x512xf32>
    tpu.vector_store %arg4[%swap3A_279, %swap3A_280], %dot_general3A_274 {strides = array<i32>} : memref<8x4096xf32, #tpu.memory_space<vmem>>, vector<8x512xf32>,
    %slice3A_282 = vector.extract_strided_slice %convert_element_type3A_46 {offsets = [2560, 0], sizes = [512, 64], strides = [1, 1]} : vector<4096x64xf32> to vector<512x64xf32>
    %add3A_283 = vector.broadcast %mul3A_166 : vector<1x64xf32> to vector<512x64xf32>
    %add3A_284 = arith.addf %add3A_102, %add3A_283 : vector<512x64xf32>
    %mul3A_285 = arith.mulf %slice3A_282, %add3A_284 : vector<512x64xf32>
    %reduce_sum3A_286 = arith.constant dense<0.000000e+00> : vector<512xf32>
    %reduce_sum3A_287 = vector.multi_reduction <add>, %mul3A_285, %reduce_sum3A_286 [1] : vector<512x64xf32> to vector<512xf32>
    %broadcast_in_dim3A_288 = vector.shape_cast %reduce_sum3A_287 : vector<512xf32> to vector<512x1xf32>
    %concatenate3A_289 = tpu.concatenate %broadcast_in_dim3A_288, %broadcast_in_dim3A_171 in 1 : vector<512x1xf32>, vector<512x7xf32> -> vector<512x8xf32>
    %slice3A_290 = vector.extract_strided_slice %select_n3A_37 {offsets = [2560, 0], sizes = [512, 1], strides = [1, 1]} : vector<4096x1xf32> to vector<512x1xf32>
    %slice3A_291 = vector.extract_strided_slice %select_n3A_39 {offsets = [2560, 0], sizes = [512, 1], strides = [1, 1]} : vector<4096x1xf32> to vector<512x1xf32>
    %concatenate3A_292 = tpu.concatenate %slice3A_290, %slice3A_291, %broadcast_in_dim3A_173 in 1 : vector<512x1xf32>, vector<512x1xf32>, vector<512x6xf32> -> vector<512x8xf32>
    %dot_general3A_293 = arith.constant dense<0.000000e+00> : vector<8x512xf32>
    %dot_general3A_294 = tpu.matmul %concatenate3A_289, %convert_element_type3A_169, %dot_general3A_293 {dimension_numbers = #tpu.dot_dimension_numbers<[0], [0], [1], [1], [0, 1, 1, 1], [], []>, precision = #tpu.contract_precision<fp32>, transpose_lhs_hint = false} : vector<512x8xf32>, vector<512x512xf32>, vector<8x512xf32> -> vector<8x512xf32>
    %dot_general3A_295 = arith.constant dense<0.000000e+00> : vector<8x512xf32>
    %dot_general3A_296 = tpu.matmul %concatenate3A_292, %convert_element_type3A_169, %dot_general3A_295 {dimension_numbers = #tpu.dot_dimension_numbers<[0], [0], [1], [1], [0, 1, 1, 1], [], []>, precision = #tpu.contract_precision<fp32>, transpose_lhs_hint = false} : vector<512x8xf32>, vector<512x512xf32>, vector<8x512xf32> -> vector<8x512xf32>
    %convert_element_type3A_297 = arith.fptosi %dot_general3A_294 : vector<8x512xf32> to vector<8x512xi32>
    %swap3A_298 = arith.constant 0 : index
    %swap3A_299 = arith.constant 2560 : index
    %swap3A_300 = vector.load %arg3[%swap3A_298, %swap3A_299] : memref<8x4096xi32, #tpu.memory_space<vmem>>, vector<8x512xi32>
    tpu.vector_store %arg3[%swap3A_298, %swap3A_299], %convert_element_type3A_297 {strides = array<i32>} : memref<8x4096xi32, #tpu.memory_space<vmem>>, vector<8x512xi32>,
    %swap3A_301 = arith.constant 0 : index
    %swap3A_302 = arith.constant 2560 : index
    %swap3A_303 = vector.load %arg4[%swap3A_301, %swap3A_302] : memref<8x4096xf32, #tpu.memory_space<vmem>>, vector<8x512xf32>
    tpu.vector_store %arg4[%swap3A_301, %swap3A_302], %dot_general3A_296 {strides = array<i32>} : memref<8x4096xf32, #tpu.memory_space<vmem>>, vector<8x512xf32>,
    %slice3A_304 = vector.extract_strided_slice %convert_element_type3A_46 {offsets = [3072, 0], sizes = [512, 64], strides = [1, 1]} : vector<4096x64xf32> to vector<512x64xf32>
    %add3A_305 = vector.broadcast %mul3A_166 : vector<1x64xf32> to vector<512x64xf32>
    %add3A_306 = arith.addf %add3A_111, %add3A_305 : vector<512x64xf32>
    %mul3A_307 = arith.mulf %slice3A_304, %add3A_306 : vector<512x64xf32>
    %reduce_sum3A_308 = arith.constant dense<0.000000e+00> : vector<512xf32>
    %reduce_sum3A_309 = vector.multi_reduction <add>, %mul3A_307, %reduce_sum3A_308 [1] : vector<512x64xf32> to vector<512xf32>
    %broadcast_in_dim3A_310 = vector.shape_cast %reduce_sum3A_309 : vector<512xf32> to vector<512x1xf32>
    %concatenate3A_311 = tpu.concatenate %broadcast_in_dim3A_310, %broadcast_in_dim3A_171 in 1 : vector<512x1xf32>, vector<512x7xf32> -> vector<512x8xf32>
    %slice3A_312 = vector.extract_strided_slice %select_n3A_37 {offsets = [3072, 0], sizes = [512, 1], strides = [1, 1]} : vector<4096x1xf32> to vector<512x1xf32>
    %slice3A_313 = vector.extract_strided_slice %select_n3A_39 {offsets = [3072, 0], sizes = [512, 1], strides = [1, 1]} : vector<4096x1xf32> to vector<512x1xf32>
    %concatenate3A_314 = tpu.concatenate %slice3A_312, %slice3A_313, %broadcast_in_dim3A_173 in 1 : vector<512x1xf32>, vector<512x1xf32>, vector<512x6xf32> -> vector<512x8xf32>
    %dot_general3A_315 = arith.constant dense<0.000000e+00> : vector<8x512xf32>
    %dot_general3A_316 = tpu.matmul %concatenate3A_311, %convert_element_type3A_169, %dot_general3A_315 {dimension_numbers = #tpu.dot_dimension_numbers<[0], [0], [1], [1], [0, 1, 1, 1], [], []>, precision = #tpu.contract_precision<fp32>, transpose_lhs_hint = false} : vector<512x8xf32>, vector<512x512xf32>, vector<8x512xf32> -> vector<8x512xf32>
    %dot_general3A_317 = arith.constant dense<0.000000e+00> : vector<8x512xf32>
    %dot_general3A_318 = tpu.matmul %concatenate3A_314, %convert_element_type3A_169, %dot_general3A_317 {dimension_numbers = #tpu.dot_dimension_numbers<[0], [0], [1], [1], [0, 1, 1, 1], [], []>, precision = #tpu.contract_precision<fp32>, transpose_lhs_hint = false} : vector<512x8xf32>, vector<512x512xf32>, vector<8x512xf32> -> vector<8x512xf32>
    %convert_element_type3A_319 = arith.fptosi %dot_general3A_316 : vector<8x512xf32> to vector<8x512xi32>
    %swap3A_320 = arith.constant 0 : index
    %swap3A_321 = arith.constant 3072 : index
    %swap3A_322 = vector.load %arg3[%swap3A_320, %swap3A_321] : memref<8x4096xi32, #tpu.memory_space<vmem>>, vector<8x512xi32>
    tpu.vector_store %arg3[%swap3A_320, %swap3A_321], %convert_element_type3A_319 {strides = array<i32>} : memref<8x4096xi32, #tpu.memory_space<vmem>>, vector<8x512xi32>,
    %swap3A_323 = arith.constant 0 : index
    %swap3A_324 = arith.constant 3072 : index
    %swap3A_325 = vector.load %arg4[%swap3A_323, %swap3A_324] : memref<8x4096xf32, #tpu.memory_space<vmem>>, vector<8x512xf32>
    tpu.vector_store %arg4[%swap3A_323, %swap3A_324], %dot_general3A_318 {strides = array<i32>} : memref<8x4096xf32, #tpu.memory_space<vmem>>, vector<8x512xf32>,
    %slice3A_326 = vector.extract_strided_slice %convert_element_type3A_46 {offsets = [3584, 0], sizes = [512, 64], strides = [1, 1]} : vector<4096x64xf32> to vector<512x64xf32>
    %add3A_327 = vector.broadcast %mul3A_166 : vector<1x64xf32> to vector<512x64xf32>
    %add3A_328 = arith.addf %add3A_120, %add3A_327 : vector<512x64xf32>
    %mul3A_329 = arith.mulf %slice3A_326, %add3A_328 : vector<512x64xf32>
    %reduce_sum3A_330 = arith.constant dense<0.000000e+00> : vector<512xf32>
    %reduce_sum3A_331 = vector.multi_reduction <add>, %mul3A_329, %reduce_sum3A_330 [1] : vector<512x64xf32> to vector<512xf32>
    %broadcast_in_dim3A_332 = vector.shape_cast %reduce_sum3A_331 : vector<512xf32> to vector<512x1xf32>
    %concatenate3A_333 = tpu.concatenate %broadcast_in_dim3A_332, %broadcast_in_dim3A_171 in 1 : vector<512x1xf32>, vector<512x7xf32> -> vector<512x8xf32>
    %slice3A_334 = vector.extract_strided_slice %select_n3A_37 {offsets = [3584, 0], sizes = [512, 1], strides = [1, 1]} : vector<4096x1xf32> to vector<512x1xf32>
    %slice3A_335 = vector.extract_strided_slice %select_n3A_39 {offsets = [3584, 0], sizes = [512, 1], strides = [1, 1]} : vector<4096x1xf32> to vector<512x1xf32>
    %concatenate3A_336 = tpu.concatenate %slice3A_334, %slice3A_335, %broadcast_in_dim3A_173 in 1 : vector<512x1xf32>, vector<512x1xf32>, vector<512x6xf32> -> vector<512x8xf32>
    %dot_general3A_337 = arith.constant dense<0.000000e+00> : vector<8x512xf32>
    %dot_general3A_338 = tpu.matmul %concatenate3A_333, %convert_element_type3A_169, %dot_general3A_337 {dimension_numbers = #tpu.dot_dimension_numbers<[0], [0], [1], [1], [0, 1, 1, 1], [], []>, precision = #tpu.contract_precision<fp32>, transpose_lhs_hint = false} : vector<512x8xf32>, vector<512x512xf32>, vector<8x512xf32> -> vector<8x512xf32>
    %dot_general3A_339 = arith.constant dense<0.000000e+00> : vector<8x512xf32>
    %dot_general3A_340 = tpu.matmul %concatenate3A_336, %convert_element_type3A_169, %dot_general3A_339 {dimension_numbers = #tpu.dot_dimension_numbers<[0], [0], [1], [1], [0, 1, 1, 1], [], []>, precision = #tpu.contract_precision<fp32>, transpose_lhs_hint = false} : vector<512x8xf32>, vector<512x512xf32>, vector<8x512xf32> -> vector<8x512xf32>
    %convert_element_type3A_341 = arith.fptosi %dot_general3A_338 : vector<8x512xf32> to vector<8x512xi32>
    %swap3A_342 = arith.constant 0 : index
    %swap3A_343 = arith.constant 3584 : index
    %swap3A_344 = vector.load %arg3[%swap3A_342, %swap3A_343] : memref<8x4096xi32, #tpu.memory_space<vmem>>, vector<8x512xi32>
    tpu.vector_store %arg3[%swap3A_342, %swap3A_343], %convert_element_type3A_341 {strides = array<i32>} : memref<8x4096xi32, #tpu.memory_space<vmem>>, vector<8x512xi32>,
    %swap3A_345 = arith.constant 0 : index
    %swap3A_346 = arith.constant 3584 : index
    %swap3A_347 = vector.load %arg4[%swap3A_345, %swap3A_346] : memref<8x4096xf32, #tpu.memory_space<vmem>>, vector<8x512xf32>
    tpu.vector_store %arg4[%swap3A_345, %swap3A_346], %dot_general3A_340 {strides = array<i32>} : memref<8x4096xf32, #tpu.memory_space<vmem>>, vector<8x512xf32>,
    %add3A_348 = arith.addf %dot_general3A_163, %convert_element_type3A_156 : vector<1x64xf32>
    %iota3A_349 = tpu.iota {dimensions = array<i32: 0>} : vector<92x64xi32>
    %convert_element_type3A_350 = arith.sitofp %iota3A_349 : vector<92x64xi32> to vector<92x64xf32>
    %ge3A_351 = vector.broadcast %add3A_348 : vector<1x64xf32> to vector<92x64xf32>
    %ge3A_352 = arith.cmpf oge, %convert_element_type3A_350, %ge3A_351 : vector<92x64xf32>
    %convert_element_type3A_353 = arith.extui %ge3A_352 : vector<92x64xi1> to vector<92x64xi32>
    %convert_element_type3A_354 = arith.sitofp %convert_element_type3A_353 : vector<92x64xi32> to vector<92x64xf32>
    %reduce_sum3A_355 = arith.constant dense<0.000000e+00> : vector<92xf32>
    %reduce_sum3A_356 = vector.multi_reduction <add>, %convert_element_type3A_354, %reduce_sum3A_355 [1] : vector<92x64xf32> to vector<92xf32>
    %broadcast_in_dim3A_357 = vector.shape_cast %reduce_sum3A_356 : vector<92xf32> to vector<92x1xf32>
    %min3A_358 = arith.constant 6.300000e+01 : f32
    %min3A_359 = vector.broadcast %min3A_358 : f32 to vector<92x1xf32>
    %min3A_360 = arith.minimumf %broadcast_in_dim3A_357, %min3A_359 : vector<92x1xf32>
    %convert_element_type3A_361 = arith.fptosi %min3A_360 : vector<92x1xf32> to vector<92x1xi32>
    %jit3A_362 = arith.constant 8 : i32
    %div3A_363 = vector.broadcast %jit3A_362 : i32 to vector<92x1xi32>
    %div3A_364 = arith.divsi %convert_element_type3A_361, %div3A_363 : vector<92x1xi32>
    %sign3A_365 = arith.constant 0 : i32
    %sign3A_366 = vector.broadcast %sign3A_365 : i32 to vector<92x1xi32>
    %sign3A_367 = arith.cmpi sgt, %convert_element_type3A_361, %sign3A_366 : vector<92x1xi32>
    %sign3A_368 = arith.extui %sign3A_367 : vector<92x1xi1> to vector<92x1xi32>
    %sign3A_369 = arith.constant 0 : i32
    %sign3A_370 = vector.broadcast %sign3A_369 : i32 to vector<92x1xi32>
    %sign3A_371 = arith.cmpi slt, %convert_element_type3A_361, %sign3A_370 : vector<92x1xi32>
    %sign3A_372 = arith.extui %sign3A_371 : vector<92x1xi1> to vector<92x1xi32>
    %sign3A_373 = arith.subi %sign3A_368, %sign3A_372 : vector<92x1xi32>
    %sign3A_374 = arith.constant 0 : i32
    %sign3A_375 = arith.cmpi sgt, %jit3A_362, %sign3A_374 : i32
    %sign3A_376 = arith.extui %sign3A_375 : i1 to i32
    %sign3A_377 = arith.constant 0 : i32
    %sign3A_378 = arith.cmpi slt, %jit3A_362, %sign3A_377 : i32
    %sign3A_379 = arith.extui %sign3A_378 : i1 to i32
    %sign3A_380 = arith.subi %sign3A_376, %sign3A_379 : i32
    %ne3A_381 = vector.broadcast %sign3A_380 : i32 to vector<92x1xi32>
    %ne3A_382 = arith.cmpi ne, %sign3A_373, %ne3A_381 : vector<92x1xi32>
    %rem3A_383 = vector.broadcast %jit3A_362 : i32 to vector<92x1xi32>
    %rem3A_384 = arith.remsi %convert_element_type3A_361, %rem3A_383 : vector<92x1xi32>
    %ne3A_385 = arith.constant 0 : i32
    %ne3A_386 = vector.broadcast %ne3A_385 : i32 to vector<92x1xi32>
    %ne3A_387 = arith.cmpi ne, %rem3A_384, %ne3A_386 : vector<92x1xi32>
    %and3A_388 = arith.andi %ne3A_382, %ne3A_387 : vector<92x1xi1>
    %sub3A_389 = arith.constant 1 : i32
    %sub3A_390 = vector.broadcast %sub3A_389 : i32 to vector<92x1xi32>
    %sub3A_391 = arith.subi %div3A_364, %sub3A_390 : vector<92x1xi32>
    %select_n3A_392 = arith.select %and3A_388, %sub3A_391, %div3A_364 : vector<92x1xi1>, vector<92x1xi32>
    %swap3A_393 = arith.constant 0 : index
    %swap3A_394 = arith.constant 0 : index
    %swap3A_395 = vector.load %arg5[%swap3A_393, %swap3A_394] : memref<92x8xi32, #tpu.memory_space<vmem>>, vector<92x1xi32>
    tpu.vector_store %arg5[%swap3A_393, %swap3A_394], %select_n3A_392 {strides = array<i32>} : memref<92x8xi32, #tpu.memory_space<vmem>>, vector<92x1xi32>,
    %jit3A_396 = arith.constant 8 : i32
    %div3A_397 = vector.broadcast %jit3A_396 : i32 to vector<92x1xi32>
    %div3A_398 = arith.divsi %convert_element_type3A_361, %div3A_397 : vector<92x1xi32>
    %sign3A_399 = arith.constant 0 : i32
    %sign3A_400 = vector.broadcast %sign3A_399 : i32 to vector<92x1xi32>
    %sign3A_401 = arith.cmpi sgt, %convert_element_type3A_361, %sign3A_400 : vector<92x1xi32>
    %sign3A_402 = arith.extui %sign3A_401 : vector<92x1xi1> to vector<92x1xi32>
    %sign3A_403 = arith.constant 0 : i32
    %sign3A_404 = vector.broadcast %sign3A_403 : i32 to vector<92x1xi32>
    %sign3A_405 = arith.cmpi slt, %convert_element_type3A_361, %sign3A_404 : vector<92x1xi32>
    %sign3A_406 = arith.extui %sign3A_405 : vector<92x1xi1> to vector<92x1xi32>
    %sign3A_407 = arith.subi %sign3A_402, %sign3A_406 : vector<92x1xi32>
    %sign3A_408 = arith.constant 0 : i32
    %sign3A_409 = arith.cmpi sgt, %jit3A_396, %sign3A_408 : i32
    %sign3A_410 = arith.extui %sign3A_409 : i1 to i32
    %sign3A_411 = arith.constant 0 : i32
    %sign3A_412 = arith.cmpi slt, %jit3A_396, %sign3A_411 : i32
    %sign3A_413 = arith.extui %sign3A_412 : i1 to i32
    %sign3A_414 = arith.subi %sign3A_410, %sign3A_413 : i32
    %ne3A_415 = vector.broadcast %sign3A_414 : i32 to vector<92x1xi32>
    %ne3A_416 = arith.cmpi ne, %sign3A_407, %ne3A_415 : vector<92x1xi32>
    %rem3A_417 = vector.broadcast %jit3A_396 : i32 to vector<92x1xi32>
    %rem3A_418 = arith.remsi %convert_element_type3A_361, %rem3A_417 : vector<92x1xi32>
    %ne3A_419 = arith.constant 0 : i32
    %ne3A_420 = vector.broadcast %ne3A_419 : i32 to vector<92x1xi32>
    %ne3A_421 = arith.cmpi ne, %rem3A_418, %ne3A_420 : vector<92x1xi32>
    %and3A_422 = arith.andi %ne3A_416, %ne3A_421 : vector<92x1xi1>
    %sub3A_423 = arith.constant 1 : i32
    %sub3A_424 = vector.broadcast %sub3A_423 : i32 to vector<92x1xi32>
    %sub3A_425 = arith.subi %div3A_398, %sub3A_424 : vector<92x1xi32>
    %select_n3A_426 = arith.select %and3A_422, %sub3A_425, %div3A_398 : vector<92x1xi1>, vector<92x1xi32>
    %mul3A_427 = arith.constant 8 : i32
    %mul3A_428 = vector.broadcast %mul3A_427 : i32 to vector<92x1xi32>
    %mul3A_429 = arith.muli %select_n3A_426, %mul3A_428 : vector<92x1xi32>
    %sub3A_430 = arith.subi %convert_element_type3A_361, %mul3A_429 : vector<92x1xi32>
    %swap3A_431 = arith.constant 0 : index
    %swap3A_432 = arith.constant 1 : index
    %swap3A_433 = vector.load %arg5[%swap3A_431, %swap3A_432] : memref<92x8xi32, #tpu.memory_space<vmem>>, vector<92x1xi32>
    tpu.vector_store %arg5[%swap3A_431, %swap3A_432], %sub3A_430 {strides = array<i32>} : memref<92x8xi32, #tpu.memory_space<vmem>>, vector<92x1xi32>,
    return
  }
}

</mosaic_0001>

<sc_bundles>
// kernel: kernel.6.cloned.1.call-start
scs
__scs_entry_jumppad:
0x0: {  	(pc) =	sbr.rel $0x88, $3  }
0x1: {  	(tag) =	ssettag $0x0;
	lr =	simm.s32 $0x1  }
0x2: {  	[smem:$0x3F9C] =	sst lr;
	_ =	strace $0xD0000000  }
0x3: {  	_ = 	snop  }
0x4: {  	_ = 	snop  }
0x5: {  	_ = 	snop  }
0x6: {  	_ = 	snop  }
0x7: {  	_ = 	snop  }
__scs_overlays_trampoline_lowered:
0x8: {  	[smem:$0x3FAB] =	sst s0  }
0x9: {  	[smem:$0x3FAC] =	sst s1  }
0xa: {  	[smem:$0x3FAD] =	sst s2  }
0xb: {  	[smem:$0x3FAE] =	sst s3  }
0xc: {  	[smem:$0x3FAF] =	sst s4  }
0xd: {  	[smem:$0x3FB0] =	sst s5  }
0xe: {  	[smem:$0x3FB1] =	sst s6  }
0xf: {  	[smem:$0x3FB2] =	sst s7  }
0x10: {  	[smem:$0x3FB3] =	sst s8  }
0x11: {  	[smem:$0x3FB4] =	sst s9;
	s0 =	simm.s32 @!p0 $0x0  }
0x12: {  	s1 =	sld [smem:$0x3F9A];
	s0 =	simm.s32 @p0 $0x1  }
0x13: {  	[smem:$0x3FB5] =	sst s0;
	s0 =	simm.s32 @!p1 $0x0  }
0x14: {  	s2 =	sld [smem:$0x3F99];
	s0 =	simm.s32 @p1 $0x1  }
0x15: {  	[smem:$0x3FB6] =	sst s0;
	s0 =	simm.s32 @!p2 $0x0  }
0x16: {  	s3 =	sld [smem:$0x3FDB];
	s0 =	simm.s32 @p2 $0x1  }
0x17: {  	s4 =	simm.s32 $0x1BF5;
	[smem:$0x3FB8] =	sst s0  }
0x18: {  	s0 =	sld [smem:$0x3F9B];
	_ =	swait.ge [sflag:s4], $0x0  }
0x19: {  	s7 =	sld [smem:$0x3F9C]  }
0x1a: {  	s8 =	sadd.s32 $0xFFFFE003, lr  }
0x1b: {  	s9 =	sadd.s32 $0xFFFFFEF7, lr;
	s5 =	simm.s32 $0xFFFFFFFF;
	p2 =	slt.u32 s8, $0xFFFFF086  }
0x1c: {  	p1 =	slt.u32 s9, $0xF7A;
	s5 =	simm.s32 @!p2 $0x0  }
0x1d: {  	s5 =	simm.s32 @p1 $0x1;
	p0 =	seq.s32 s7, s2  }
0x1e: {  	s7 =	smul.u32 @!p0 $0xF7A, s2;
	p2 =	seq.s32 @!p0 s5, $0x0  }
0x1f: {  	s9 =	smul.u32 $0xF7A, s1;
	s8 =	simm.s32 @!p0 $0x1BF5;
	p2 =	por !p2, p0  }
0x20: {  	[sflag:s8] =	ssyncset.s32 @!p0 $0xFFFFF086;
	s6 =	sadd.s32 @!p0 s3, s7;
	s7 =	simm.s32 @!p0 $0x108  }
0x21: {  	s3 =	sadd.s32 s3, s9;
	s6 =	sadd.s32 @!p0 $0x88, s6;
	s7 =	simm.s32 @p2 $0x1082  }
0x22: {  	[simem:s7], [sflag:s8] =	dma.local @!p0 [hbm:s6], $0xF7A  }
0x23: {  	s9 =	sor.u32 $0xD0000000, s2;
	s6 =	simm.s32 $0x108;
	_ =	swait.ge @!p0 [sflag:s8], $0x0  }
0x24: {  	s3 =	sadd.s32 $0x88, s3;
	s6 =	simm.s32 @!p1 $0x1082;
	[sflag:s4] =	ssyncset.s32 $0xFFFFF086  }
0x25: {  	[simem:s6], [sflag:s4] =	dma.local [hbm:s3], $0xF7A  }
0x26: {  	[smem:$0x3F9C] =	sst s1;
	(tag) =	ssettag s2;
	_ =	strace s9  }
0x27: {  	s1 =	sld [smem:$0x3FAC]  }
0x28: {  	s2 =	sld [smem:$0x3FAD]  }
0x29: {  	s4 =	sld [smem:$0x3FAF]  }
0x2a: {  	p0 =	seq.s32 s5, $0x0;
	s5 =	sld [smem:$0x3FB0]  }
0x2b: {  	s6 =	sld [smem:$0x3FB1]  }
0x2c: {  	s7 =	sld [smem:$0x3FB2]  }
0x2d: {  	s3 =	simm.s32 $0x108;
	s8 =	sld [smem:$0x3FB3]  }
0x2e: {  	s3 =	simm.s32 @!p0 $0x1082;
	s9 =	sld [smem:$0x3FB4]  }
0x2f: {  	lr =	sadd.s32 s0, s3;
	s0 =	sld [smem:$0x3FAB]  }
0x30: {  	s3 =	sld [smem:$0x3FAE]  }
0x31: {  	[smem:$0x3FB7] =	sst s10  }
0x32: {  	s10 =	sld [smem:$0x3FB5];
	_ =	sdelay $0x3  }
0x33: {  	p0 =	seq.s32 s10, $0x1;
	s10 =	sld [smem:$0x3FB7];
	_ =	sdelay $0x3  }
0x34: {  	[smem:$0x3FB7] =	sst s10  }
0x35: {  	s10 =	sld [smem:$0x3FB6];
	_ =	sdelay $0x3  }
0x36: {  	p1 =	seq.s32 s10, $0x1;
	s10 =	sld [smem:$0x3FB7];
	_ =	sdelay $0x3  }
0x37: {  	[smem:$0x3FB7] =	sst s10  }
0x38: {  	s10 =	sld [smem:$0x3FB8]  }
0x39: {  	_ = 	snop;
	(pc) =	sbr.ind lr, $3  }
0x3a: {  	_ = 	snop  }
0x3b: {  	_ = 	snop  }
0x3c: {  	p2 =	seq.s32 s10, $0x1;
	s10 =	sld [smem:$0x3FB7]  }
0x3d: {  	_ =	shalt  }
0x3e: {  	_ =	shalt  }
0x3f: {  	_ =	shalt  }
0x40: {  	_ =	shalt  }
0x41: {  	_ =	shalt  }
0x42: {  	_ =	shalt  }
0x43: {  	_ =	shalt  }
0x44: {  	_ =	shalt  }
0x45: {  	_ =	shalt  }
0x46: {  	_ =	shalt  }
0x47: {  	_ =	shalt  }
0x48: {  	_ =	shalt  }
0x49: {  	_ =	shalt  }
0x4a: {  	_ =	shalt  }
0x4b: {  	_ =	shalt  }
0x4c: {  	_ =	shalt  }
0x4d: {  	_ =	shalt  }
0x4e: {  	_ =	shalt  }
0x4f: {  	_ =	shalt  }
0x50: {  	_ =	shalt  }
0x51: {  	_ =	shalt  }
0x52: {  	_ =	shalt  }
0x53: {  	_ =	shalt  }
0x54: {  	_ =	shalt  }
0x55: {  	_ =	shalt  }
0x56: {  	_ =	shalt  }
0x57: {  	_ =	shalt  }
0x58: {  	_ =	shalt  }
0x59: {  	_ =	shalt  }
0x5a: {  	_ =	shalt  }
0x5b: {  	_ =	shalt  }
0x5c: {  	_ =	shalt  }
0x5d: {  	_ =	shalt  }
0x5e: {  	_ =	shalt  }
0x5f: {  	_ =	shalt  }
0x60: {  	_ =	shalt  }
0x61: {  	_ =	shalt  }
0x62: {  	_ =	shalt  }
0x63: {  	_ =	shalt  }
0x64: {  	_ =	shalt  }
0x65: {  	_ =	shalt  }
0x66: {  	_ =	shalt  }
0x67: {  	_ =	shalt  }
0x68: {  	_ =	shalt  }
0x69: {  	_ =	shalt  }
0x6a: {  	_ =	shalt  }
0x6b: {  	_ =	shalt  }
0x6c: {  	_ =	shalt  }
0x6d: {  	_ =	shalt  }
0x6e: {  	_ =	shalt  }
0x6f: {  	_ =	shalt  }
0x70: {  	_ =	shalt  }
0x71: {  	_ =	shalt  }
0x72: {  	_ =	shalt  }
0x73: {  	_ =	shalt  }
0x74: {  	_ =	shalt  }
0x75: {  	_ =	shalt  }
0x76: {  	_ =	shalt  }
0x77: {  	_ =	shalt  }
0x78: {  	_ =	shalt  }
0x79: {  	_ =	shalt  }
0x7a: {  	_ =	shalt  }
0x7b: {  	_ =	shalt  }
0x7c: {  	_ =	shalt  }
0x7d: {  	_ =	shalt  }
0x7e: {  	_ =	shalt  }
0x7f: {  	_ =	shalt  }
0x80: {  	_ =	shalt  }
0x81: {  	_ =	shalt  }
0x82: {  	_ =	shalt  }
0x83: {  	_ =	shalt  }
0x84: {  	_ =	shalt  }
0x85: {  	_ =	shalt  }
0x86: {  	_ =	shalt  }
0x87: {  	_ =	shalt  }
.Lfunc_end0:
.L_simem_size_0:
called_computation_lowered:
.L_overlay_start_0:
0x88: {  	s2 =	sld [smem:$0x3FD9]  }
0x89: {  	s3 =	sld [smem:$0x3FFE];
	_ =	sdelay $0x1  }
0x8a: {  	s1 =	srdreg.scid  }
0x8b: {  	s0 =	sand.u32 $0x1, s1  }
0x8c: {  	s17 =	sshll.u32 s0, $0xA;
	s2 =	sadd.s32 s3, s2  }
0x8d: {  	s2 =	sadd.s32 s2, s17  }
0x8e: {  	[smem:$0x3FC3] =	sst s2  }
0x8f: {  	_ = 	snop  }
0x90: {  	s2 =	sld [smem:$0x3FC9]  }
0x91: {  	s18 =	sld [smem:$0x3FD0];
	(tm) =	ssettm $0x1  }
0x92: {  	s4 =	sld [smem:$0x3FFB];
	_ =	sdelay $0x3  }
0x93: {  	_ =	strace s4  }
0x94: {  	s4 =	sld [smem:$0x3FFC];
	_ =	sdelay $0x3  }
0x95: {  	_ =	strace s4  }
0x96: {  	s4 =	sld [smem:$0x3FFD];
	_ =	sdelay $0x3  }
0x97: {  	_ =	strace s4  }
0x98: {  	_ =	strace $0x8FFFFFFF  }
0x99: {  	s19 =	sld [smem:$0x3FDB];
	_ =	sdelay $0x1  }
0x9a: {  	s5 =	simm.s32 $_scs_section_size  }
0x9b: {  	s6 =	simm.s32 $_size__tile_overlayer_lowered;
	s7 =	simm.s32 $_tile_overlayer_lowered  }
0x9c: {  	s22 =	simm.s32 $0x1BFF;
	s21 =	sshll.u32 s7, $0x1;
	s4 =	sadd.s32 s5, s19  }
0x9d: {  	s8 =	simm.s32 $0x0;
	s20 =	sshll.u32 s6, $0x1;
	s6 =	sadd.s32 s21, s4  }
0x9e: {  	[timem:s8], [sflag:s22] =	dma.local [hbm:s6], s20  }
0x9f: {  	_ =	swait.ge [sflag:s22], s20  }
0xa0: {  	s5 =	ssub.s32 $0x0, s20;
	[sflag:s22] =	ssyncset.done $0x0  }
0xa1: {  	[sflag:s22] =	ssyncadd.s32 s5;
	_ =	sdelay $0x1  }
0xa2: {  	s23 =	simm.s32 $0x1B8B  }
0xa3: {  	_ =	swait.ge [sflag:s23], $0x1  }
0xa4: {  	[sflag:s23] =	ssyncset.done $0x0  }
0xa5: {  	s25 =	simm.s32 $0x1B8E;
	s24 =	sld [smem:$0x3FFE];
	[sflag:s23] =	ssyncadd.s32 $0xFFFFFFFF  }
0xa6: {  	s26 =	simm.s32 $execute0_lowered;
	[smem:$0x3FD2] =	sst s25  }
0xa7: {  	s6 =	sshll.u32 s26, $0x1;
	_ =	strace $0x80000046;
	[dreg:$0x1] =	wrdreg $0xFFFFFFFF  }
0xa8: {  	s28 =	simm.s32 $_size_execute0_lowered;
	s4 =	sadd.s32 s4, s6;
	[dreg:$0x0] =	wrdreg $0x0  }
0xa9: {  	s6 =	sshll.u32 s28, $0x1;
	[dreg:$0x2] =	wrdreg s4  }
0xaa: {  	[dreg:$0x3] =	wrdreg s6  }
0xab: {  	[dreg:$0x4] =	wrdreg $0xC0  }
0xac: {  	_ =	task [dreg:s8], $0x5FFFF  }
0xad: {  	[dreg:$0x1] =	wrdreg $0xFFFFFFFF  }
0xae: {  	[dreg:$0x0] =	wrdreg $0x60  }
0xaf: {  	[dreg:$0x2] =	wrdreg s2  }
0xb0: {  	[dreg:$0x3] =	wrdreg s24  }
0xb1: {  	[dreg:$0x4] =	wrdreg s18  }
0xb2: {  	[dreg:$0x5] =	wrdreg $0x9  }
0xb3: {  	_ =	task.clear_ibuf [dreg:s8], $0x6FFFF;
	_ =	strace $0x90000046  }
0xb4: {  	s29 =	simm.s32 $0x9;
	_ =	strace $0x80000048  }
0xb5: {  	_ =	swait.ge [sflag:s29], $0x1  }
0xb6: {  	[sflag:s29] =	ssyncadd.s32 $0xFFFFFFFF  }
0xb7: {  	_ =	strace $0x90000048  }
0xb8: {  	_ =	sfence  }
0xb9: {  	s30 =	sld [smem:$0x0];
	_ =	sdelay $0x2  }
0xba: {  	s31 =	sshll.u32 s1, $0xD;
	s1 =	sshrl.u32 s1, $0x2  }
0xbb: {  	s3 =	sand.u32 $0x4000, s31;
	s1 =	sadd.s32 s1, s30  }
0xbc: {  	s0 =	sor.u32 s3, s0;
	s1 =	sshll.u32 s1, $0x11  }
0xbd: {  	s0 =	sor.u32 s1, s0  }
0xbe: {  	s0 =	sadd.s32 $0x8F2B, s0  }
0xbf: {  	[sflag:s0] =	ssyncadd.remote.s32 $0x1  }
0xc0: {  	_ =	sfence.sel $0xFFFF  }
0xc1: {  	[dreg:$0x0] =	wrdreg $0xFFFFFFFF;
	(pc) =	sbr.abs _section_cstart, $3  }
0xc2: {  	[dreg:$0x1] =	wrdreg $0xFFFFFFFF  }
0xc3: {  	_ =	task.clear_ibuf [dreg:s8], $0x2FFFF;
	_ =	strace $0x9FFFFFFF  }
0xc4: {  	(tm) =	ssettm $0x7FFFFFFF  }
0xc5: {  	_ =	shalt  }
tec
execute0_lowered:
.L_overlay_start_1:
0x0: {  	(tag) =	ssettag $0x1  }
0x1: {  	s0 =	rddreg [dreg:$0x0]  }
0x2: {  	s1 =	rddreg [dreg:$0x1]  }
0x3: {  	s2 =	srdreg.scid;
	s4 =	stileid.u32;
	s3 =	simm.s32 $0x0  }
0x4: {  	s12 =	simm.s32 $0x2;
	s13 =	simm.s32 $0x80;
	s30 =	simm.s32 $0x11080  }
0x5: {  	s31 =	simm.s32 $0x11880;
	s14 =	simm.s32 $0x13880;
	s15 =	simm.s32 $0x14080  }
0x6: {  	s16 =	simm.s32 $0x14880;
	s17 =	simm.s32 $0x15080;
	s18 =	simm.s32 $0x15880  }
0x7: {  	s19 =	simm.s32 $0x16080;
	s20 =	simm.s32 $0x16880;
	s21 =	simm.s32 $0x17080  }
0x8: {  	s22 =	simm.s32 $0x17880;
	s23 =	simm.s32 $0x18180;
	s24 =	simm.s32 $0x1  }
0x9: {  	s25 =	simm.s32 $0x0;
	s2 =	sand.u32 $0x1, s2;
	s4 =	sshll.u32 s4, $0x8  }
0xa: {  	[smem:$0x7FF] =	sst s3;
	s9 =	sadd.s32 $0x3D00, s1;
	s5 =	sshll.u32 s2, $0x7  }
0xb: {  	s10 =	sadd.s32 $0x3E00, s1;
	s2 =	ssub.s32 $0x2, s2;
	s4 =	sor.u32 s5, s4  }
0xc: {  	_ =	strace $0x80000047;
	s6 =	sshrl.u32 s2, $0x1;
	s5 =	sshrl.u32 s4, $0x3  }
0xd: {  	v2 =	vlaneseq.u32;
	s8 =	sadd.s32 s4, s1;
	s4 =	sadd.s32 $0x3C00, s1;
	s7 =	smul.u32 $0x300, s5  }
0xe: {  	vm0 =	vmmov $0xffff;
	vm1 =	vcmask $0x704;
	vm2 =	vmmov $0x1;
	s2 =	ssub.s32 s2, s6;
	s1 =	simm.s32 $0x12880;
	s5 =	sadd.s32 $0x1C00, s8  }
0xf: {  	vm3 =	vcmask $0x3F08;
	vm4 =	vcmask $0x3F04;
	v1 =	vshrl.u32 v2, $0x3;
	s11 =	smax.u32 s2, $0x1;
	s2 =	simm.s32 $0x13080;
	s6 =	sadd.s32 s0, s7  }
0x10: {  	v0 =	vand.u32 $0x7, v2;
	v2 =	vor.u32 $0x8, v2;
	v1 =	vmul.u32 $0x8, v1;
	s7 =	sadd.s32 $0x2C00, s8;
	s8 =	sadd.s32 $0x2C10, s8;
	s0 =	simm.s32 $0x12080  }
.LBB2_1:
0x11: {  	[tilespmem:s3], [sflag:$0x2] =	stream.linear.gather [hbm4b:s5+s3], $0x80, $0x38;
	[tilespmem:$0x1C180] =	vst v63  }
0x12: {  	_ =	swait.ge [sflag:s12], $0x80  }
0x13: {  	[sflag:s12] =	ssyncset.done $0x0  }
0x14: {  	[sflag:s12] =	ssyncadd.s32 $0xFFFFFF80  }
0x15: {  	[tilespmem:s13], [sflag:$0x2] =	stream.linear.gather [hbm4b:s6+s3], $0x18000, $0x38;
	[tilespmem:$0x1C180] =	vst v63  }
0x16: {  	_ =	swait.ge [sflag:s12], $0x18000  }
0x17: {  	[sflag:s12] =	ssyncset.done $0x0  }
0x18: {  	s26 =	simm.s32 $0x18080;
	[sflag:s12] =	ssyncadd.s32 $0xFFFE8000  }
0x19: {  	[tilespmem:s26], [sflag:$0x2] =	stream.linear.gather [hbm4b:s7+s3], $0x80, $0x38;
	[tilespmem:$0x1C180] =	vst v63  }
0x1a: {  	_ =	swait.ge [sflag:s12], $0x80  }
0x1b: {  	[sflag:s12] =	ssyncset.done $0x0  }
0x1c: {  	s26 =	simm.s32 $0x18100;
	[sflag:s12] =	ssyncadd.s32 $0xFFFFFF80  }
0x1d: {  	[tilespmem:s26], [sflag:$0x2] =	stream.linear.gather [hbm4b:s8+s3], $0x80, $0x38;
	[tilespmem:$0x1C180] =	vst v63  }
0x1e: {  	_ =	swait.ge [sflag:s12], $0x80  }
0x1f: {  	[sflag:s12] =	ssyncset.done $0x0  }
0x20: {  	[sflag:s12] =	ssyncadd.s32 $0xFFFFFF80  }
0x21: {  	v3 =	vld [tilespmem:$0x0];
	_ =	sdelay $0x4  }
0x22: {  	v4 =	vshrl.u32 v3, $0x3  }
0x23: {  	v4 =	vmul.u32 $0x30, v4  }
0x24: {  	v3 =	vand.u32 $0x7, v3  }
0x25: {  	v3 =	vor.u32 v3, v4  }
0x26: {  	v4 =	vperm.xlane v3, v0;
	_ =	sdelay $0x1  }
0x27: {  	v4 =	vadd.s32 v1, v4;
	_ =	sdelay $0x3  }
0x28: {  	v3 =	vperm.xlane v3, v2  }
0x29: {  	[hbm4b:s4+s3] =	stream.indirect_vreg.scatter [tilespmem:s13], [sflag:$0x1], $0x80, v4, vm0, $0xb8;
	[tilespmem:$0x1C180] =	vst v63  }
0x2a: {  	s26 =	simm.s32 $0x880;
	v3 =	vadd.s32 v1, v3  }
0x2b: {  	[hbm4b:s9+s3] =	stream.indirect_vreg.scatter [tilespmem:s26], [sflag:$0x1], $0x80, v4, vm0, $0xb8;
	[tilespmem:$0x1C180] =	vst v63  }
0x2c: {  	s26 =	simm.s32 $0x1080  }
0x2d: {  	[hbm4b:s10+s3] =	stream.indirect_vreg.scatter [tilespmem:s26], [sflag:$0x1], $0x80, v4, vm0, $0xb8;
	[tilespmem:$0x1C180] =	vst v63  }
0x2e: {  	s26 =	simm.s32 $0x1880  }
0x2f: {  	[hbm4b:s4+s3] =	stream.indirect_vreg.scatter [tilespmem:s26], [sflag:$0x1], $0x80, v3, vm0, $0xb8;
	[tilespmem:$0x1C180] =	vst v63  }
0x30: {  	s26 =	simm.s32 $0x2080  }
0x31: {  	[hbm4b:s9+s3] =	stream.indirect_vreg.scatter [tilespmem:s26], [sflag:$0x1], $0x80, v3, vm0, $0xb8;
	[tilespmem:$0x1C180] =	vst v63  }
0x32: {  	s26 =	simm.s32 $0x2880  }
0x33: {  	[hbm4b:s10+s3] =	stream.indirect_vreg.scatter [tilespmem:s26], [sflag:$0x1], $0x80, v3, vm0, $0xb8;
	[tilespmem:$0x1C180] =	vst v63  }
0x34: {  	v3 =	vld [tilespmem:$0x10];
	_ =	sdelay $0x4  }
0x35: {  	v25 =	vshrl.u32 v3, $0x3  }
0x36: {  	v4 =	vmul.u32 $0x30, v25  }
0x37: {  	v3 =	vand.u32 $0x7, v3  }
0x38: {  	v3 =	vor.u32 v3, v4  }
0x39: {  	v4 =	vperm.xlane v3, v0;
	_ =	sdelay $0x1  }
0x3a: {  	v4 =	vadd.s32 v1, v4;
	_ =	sdelay $0x3  }
0x3b: {  	s26 =	simm.s32 $0x3080;
	v3 =	vperm.xlane v3, v2  }
0x3c: {  	[hbm4b:s4+s3] =	stream.indirect_vreg.scatter [tilespmem:s26], [sflag:$0x1], $0x80, v4, vm0, $0xb8;
	[tilespmem:$0x1C180] =	vst v63  }
0x3d: {  	v3 =	vadd.s32 v1, v3;
	s26 =	simm.s32 $0x3880  }
0x3e: {  	[hbm4b:s9+s3] =	stream.indirect_vreg.scatter [tilespmem:s26], [sflag:$0x1], $0x80, v4, vm0, $0xb8;
	[tilespmem:$0x1C180] =	vst v63  }
0x3f: {  	s26 =	simm.s32 $0x4080  }
0x40: {  	[hbm4b:s10+s3] =	stream.indirect_vreg.scatter [tilespmem:s26], [sflag:$0x1], $0x80, v4, vm0, $0xb8;
	[tilespmem:$0x1C180] =	vst v63  }
0x41: {  	s26 =	simm.s32 $0x4880  }
0x42: {  	[hbm4b:s4+s3] =	stream.indirect_vreg.scatter [tilespmem:s26], [sflag:$0x1], $0x80, v3, vm0, $0xb8;
	[tilespmem:$0x1C180] =	vst v63  }
0x43: {  	s26 =	simm.s32 $0x5080  }
0x44: {  	[hbm4b:s9+s3] =	stream.indirect_vreg.scatter [tilespmem:s26], [sflag:$0x1], $0x80, v3, vm0, $0xb8;
	[tilespmem:$0x1C180] =	vst v63  }
0x45: {  	s26 =	simm.s32 $0x5880  }
0x46: {  	[hbm4b:s10+s3] =	stream.indirect_vreg.scatter [tilespmem:s26], [sflag:$0x1], $0x80, v3, vm0, $0xb8;
	[tilespmem:$0x1C180] =	vst v63  }
0x47: {  	v3 =	vld [tilespmem:$0x20];
	_ =	sdelay $0x4  }
0x48: {  	v26 =	vshrl.u32 v3, $0x3  }
0x49: {  	v4 =	vmul.u32 $0x30, v26  }
0x4a: {  	v3 =	vand.u32 $0x7, v3  }
0x4b: {  	v3 =	vor.u32 v3, v4  }
0x4c: {  	v4 =	vperm.xlane v3, v0;
	_ =	sdelay $0x1  }
0x4d: {  	v4 =	vadd.s32 v1, v4;
	_ =	sdelay $0x3  }
0x4e: {  	s26 =	simm.s32 $0x6080;
	v3 =	vperm.xlane v3, v2  }
0x4f: {  	[hbm4b:s4+s3] =	stream.indirect_vreg.scatter [tilespmem:s26], [sflag:$0x1], $0x80, v4, vm0, $0xb8;
	[tilespmem:$0x1C180] =	vst v63  }
0x50: {  	v3 =	vadd.s32 v1, v3;
	s26 =	simm.s32 $0x6880  }
0x51: {  	[hbm4b:s9+s3] =	stream.indirect_vreg.scatter [tilespmem:s26], [sflag:$0x1], $0x80, v4, vm0, $0xb8;
	[tilespmem:$0x1C180] =	vst v63  }
0x52: {  	s26 =	simm.s32 $0x7080  }
0x53: {  	[hbm4b:s10+s3] =	stream.indirect_vreg.scatter [tilespmem:s26], [sflag:$0x1], $0x80, v4, vm0, $0xb8;
	[tilespmem:$0x1C180] =	vst v63  }
0x54: {  	s26 =	simm.s32 $0x7880  }
0x55: {  	[hbm4b:s4+s3] =	stream.indirect_vreg.scatter [tilespmem:s26], [sflag:$0x1], $0x80, v3, vm0, $0xb8;
	[tilespmem:$0x1C180] =	vst v63  }
0x56: {  	s26 =	simm.s32 $0x8080  }
0x57: {  	[hbm4b:s9+s3] =	stream.indirect_vreg.scatter [tilespmem:s26], [sflag:$0x1], $0x80, v3, vm0, $0xb8;
	[tilespmem:$0x1C180] =	vst v63  }
0x58: {  	s26 =	simm.s32 $0x8880  }
0x59: {  	[hbm4b:s10+s3] =	stream.indirect_vreg.scatter [tilespmem:s26], [sflag:$0x1], $0x80, v3, vm0, $0xb8;
	[tilespmem:$0x1C180] =	vst v63  }
0x5a: {  	v3 =	vld [tilespmem:$0x30];
	_ =	sdelay $0x4  }
0x5b: {  	v27 =	vshrl.u32 v3, $0x3  }
0x5c: {  	v4 =	vmul.u32 $0x30, v27  }
0x5d: {  	v3 =	vand.u32 $0x7, v3  }
0x5e: {  	v3 =	vor.u32 v3, v4  }
0x5f: {  	v4 =	vperm.xlane v3, v0;
	_ =	sdelay $0x1  }
0x60: {  	v4 =	vadd.s32 v1, v4;
	_ =	sdelay $0x3  }
0x61: {  	s26 =	simm.s32 $0x9080;
	v3 =	vperm.xlane v3, v2  }
0x62: {  	[hbm4b:s4+s3] =	stream.indirect_vreg.scatter [tilespmem:s26], [sflag:$0x1], $0x80, v4, vm0, $0xb8;
	[tilespmem:$0x1C180] =	vst v63  }
0x63: {  	v3 =	vadd.s32 v1, v3;
	s26 =	simm.s32 $0x9880  }
0x64: {  	[hbm4b:s9+s3] =	stream.indirect_vreg.scatter [tilespmem:s26], [sflag:$0x1], $0x80, v4, vm0, $0xb8;
	[tilespmem:$0x1C180] =	vst v63  }
0x65: {  	s26 =	simm.s32 $0xA080  }
0x66: {  	[hbm4b:s10+s3] =	stream.indirect_vreg.scatter [tilespmem:s26], [sflag:$0x1], $0x80, v4, vm0, $0xb8;
	[tilespmem:$0x1C180] =	vst v63  }
0x67: {  	s26 =	simm.s32 $0xA880  }
0x68: {  	[hbm4b:s4+s3] =	stream.indirect_vreg.scatter [tilespmem:s26], [sflag:$0x1], $0x80, v3, vm0, $0xb8;
	[tilespmem:$0x1C180] =	vst v63  }
0x69: {  	s26 =	simm.s32 $0xB080  }
0x6a: {  	[hbm4b:s9+s3] =	stream.indirect_vreg.scatter [tilespmem:s26], [sflag:$0x1], $0x80, v3, vm0, $0xb8;
	[tilespmem:$0x1C180] =	vst v63  }
0x6b: {  	s26 =	simm.s32 $0xB880  }
0x6c: {  	[hbm4b:s10+s3] =	stream.indirect_vreg.scatter [tilespmem:s26], [sflag:$0x1], $0x80, v3, vm0, $0xb8;
	[tilespmem:$0x1C180] =	vst v63  }
0x6d: {  	v3 =	vld [tilespmem:$0x40];
	_ =	sdelay $0x4  }
0x6e: {  	v28 =	vshrl.u32 v3, $0x3  }
0x6f: {  	v4 =	vmul.u32 $0x30, v28  }
0x70: {  	v3 =	vand.u32 $0x7, v3  }
0x71: {  	v3 =	vor.u32 v3, v4  }
0x72: {  	v4 =	vperm.xlane v3, v0;
	_ =	sdelay $0x1  }
0x73: {  	v4 =	vadd.s32 v1, v4;
	_ =	sdelay $0x3  }
0x74: {  	s26 =	simm.s32 $0xC080;
	v3 =	vperm.xlane v3, v2  }
0x75: {  	[hbm4b:s4+s3] =	stream.indirect_vreg.scatter [tilespmem:s26], [sflag:$0x1], $0x80, v4, vm0, $0xb8;
	[tilespmem:$0x1C180] =	vst v63  }
0x76: {  	v3 =	vadd.s32 v1, v3;
	s26 =	simm.s32 $0xC880  }
0x77: {  	[hbm4b:s9+s3] =	stream.indirect_vreg.scatter [tilespmem:s26], [sflag:$0x1], $0x80, v4, vm0, $0xb8;
	[tilespmem:$0x1C180] =	vst v63  }
0x78: {  	s26 =	simm.s32 $0xD080  }
0x79: {  	[hbm4b:s10+s3] =	stream.indirect_vreg.scatter [tilespmem:s26], [sflag:$0x1], $0x80, v4, vm0, $0xb8;
	[tilespmem:$0x1C180] =	vst v63  }
0x7a: {  	s26 =	simm.s32 $0xD880  }
0x7b: {  	[hbm4b:s4+s3] =	stream.indirect_vreg.scatter [tilespmem:s26], [sflag:$0x1], $0x80, v3, vm0, $0xb8;
	[tilespmem:$0x1C180] =	vst v63  }
0x7c: {  	s26 =	simm.s32 $0xE080  }
0x7d: {  	[hbm4b:s9+s3] =	stream.indirect_vreg.scatter [tilespmem:s26], [sflag:$0x1], $0x80, v3, vm0, $0xb8;
	[tilespmem:$0x1C180] =	vst v63  }
0x7e: {  	s26 =	simm.s32 $0xE880  }
0x7f: {  	[hbm4b:s10+s3] =	stream.indirect_vreg.scatter [tilespmem:s26], [sflag:$0x1], $0x80, v3, vm0, $0xb8;
	[tilespmem:$0x1C180] =	vst v63  }
0x80: {  	v3 =	vld [tilespmem:$0x50];
	_ =	sdelay $0x4  }
0x81: {  	v29 =	vshrl.u32 v3, $0x3  }
0x82: {  	v4 =	vmul.u32 $0x30, v29  }
0x83: {  	v3 =	vand.u32 $0x7, v3  }
0x84: {  	v3 =	vor.u32 v3, v4  }
0x85: {  	v4 =	vperm.xlane v3, v0;
	_ =	sdelay $0x1  }
0x86: {  	v4 =	vadd.s32 v1, v4;
	_ =	sdelay $0x3  }
0x87: {  	s26 =	simm.s32 $0xF080;
	v3 =	vperm.xlane v3, v2  }
0x88: {  	[hbm4b:s4+s3] =	stream.indirect_vreg.scatter [tilespmem:s26], [sflag:$0x1], $0x80, v4, vm0, $0xb8;
	[tilespmem:$0x1C180] =	vst v63  }
0x89: {  	v3 =	vadd.s32 v1, v3;
	s26 =	simm.s32 $0xF880  }
0x8a: {  	[hbm4b:s9+s3] =	stream.indirect_vreg.scatter [tilespmem:s26], [sflag:$0x1], $0x80, v4, vm0, $0xb8;
	[tilespmem:$0x1C180] =	vst v63  }
0x8b: {  	s26 =	simm.s32 $0x10080  }
0x8c: {  	[hbm4b:s10+s3] =	stream.indirect_vreg.scatter [tilespmem:s26], [sflag:$0x1], $0x80, v4, vm0, $0xb8;
	[tilespmem:$0x1C180] =	vst v63  }
0x8d: {  	s26 =	simm.s32 $0x10880  }
0x8e: {  	[hbm4b:s4+s3] =	stream.indirect_vreg.scatter [tilespmem:s26], [sflag:$0x1], $0x80, v3, vm0, $0xb8;
	[tilespmem:$0x1C180] =	vst v63  }
0x8f: {  	_ = 	snop  }
0x90: {  	[hbm4b:s9+s3] =	stream.indirect_vreg.scatter [tilespmem:s30], [sflag:$0x1], $0x80, v3, vm0, $0xb8;
	[tilespmem:$0x1C180] =	vst v63  }
0x91: {  	_ = 	snop  }
0x92: {  	[hbm4b:s10+s3] =	stream.indirect_vreg.scatter [tilespmem:s31], [sflag:$0x1], $0x80, v3, vm0, $0xb8;
	[tilespmem:$0x1C180] =	vst v63  }
0x93: {  	v3 =	vld [tilespmem:$0x60];
	_ =	sdelay $0x4  }
0x94: {  	v30 =	vshrl.u32 v3, $0x3  }
0x95: {  	v4 =	vmul.u32 $0x30, v30  }
0x96: {  	v3 =	vand.u32 $0x7, v3  }
0x97: {  	v3 =	vor.u32 v3, v4  }
0x98: {  	v4 =	vperm.xlane v3, v0;
	_ =	sdelay $0x1  }
0x99: {  	v4 =	vadd.s32 v1, v4;
	_ =	sdelay $0x3  }
0x9a: {  	v3 =	vperm.xlane v3, v2  }
0x9b: {  	[hbm4b:s4+s3] =	stream.indirect_vreg.scatter [tilespmem:s0], [sflag:$0x1], $0x80, v4, vm0, $0xb8;
	[tilespmem:$0x1C180] =	vst v63  }
0x9c: {  	v3 =	vadd.s32 v1, v3  }
0x9d: {  	[hbm4b:s9+s3] =	stream.indirect_vreg.scatter [tilespmem:s1], [sflag:$0x1], $0x80, v4, vm0, $0xb8;
	[tilespmem:$0x1C180] =	vst v63  }
0x9e: {  	_ = 	snop  }
0x9f: {  	[hbm4b:s10+s3] =	stream.indirect_vreg.scatter [tilespmem:s2], [sflag:$0x1], $0x80, v4, vm0, $0xb8;
	[tilespmem:$0x1C180] =	vst v63  }
0xa0: {  	_ = 	snop  }
0xa1: {  	[hbm4b:s4+s3] =	stream.indirect_vreg.scatter [tilespmem:s14], [sflag:$0x1], $0x80, v3, vm0, $0xb8;
	[tilespmem:$0x1C180] =	vst v63  }
0xa2: {  	_ = 	snop  }
0xa3: {  	[hbm4b:s9+s3] =	stream.indirect_vreg.scatter [tilespmem:s15], [sflag:$0x1], $0x80, v3, vm0, $0xb8;
	[tilespmem:$0x1C180] =	vst v63  }
0xa4: {  	_ = 	snop  }
0xa5: {  	[hbm4b:s10+s3] =	stream.indirect_vreg.scatter [tilespmem:s16], [sflag:$0x1], $0x80, v3, vm0, $0xb8;
	[tilespmem:$0x1C180] =	vst v63  }
0xa6: {  	v3 =	vld [tilespmem:$0x70];
	_ =	sdelay $0x4  }
0xa7: {  	v31 =	vshrl.u32 v3, $0x3  }
0xa8: {  	v4 =	vmul.u32 $0x30, v31  }
0xa9: {  	v3 =	vand.u32 $0x7, v3  }
0xaa: {  	v3 =	vor.u32 v3, v4  }
0xab: {  	v4 =	vperm.xlane v3, v0;
	_ =	sdelay $0x1  }
0xac: {  	v4 =	vadd.s32 v1, v4;
	_ =	sdelay $0x3  }
0xad: {  	v3 =	vperm.xlane v3, v2  }
0xae: {  	[hbm4b:s4+s3] =	stream.indirect_vreg.scatter [tilespmem:s17], [sflag:$0x1], $0x80, v4, vm0, $0xb8;
	[tilespmem:$0x1C180] =	vst v63  }
0xaf: {  	v3 =	vadd.s32 v1, v3  }
0xb0: {  	[hbm4b:s9+s3] =	stream.indirect_vreg.scatter [tilespmem:s18], [sflag:$0x1], $0x80, v4, vm0, $0xb8;
	[tilespmem:$0x1C180] =	vst v63  }
0xb1: {  	_ = 	snop  }
0xb2: {  	[hbm4b:s10+s3] =	stream.indirect_vreg.scatter [tilespmem:s19], [sflag:$0x1], $0x80, v4, vm0, $0xb8;
	[tilespmem:$0x1C180] =	vst v63  }
0xb3: {  	_ = 	snop  }
0xb4: {  	[hbm4b:s4+s3] =	stream.indirect_vreg.scatter [tilespmem:s20], [sflag:$0x1], $0x80, v3, vm0, $0xb8;
	[tilespmem:$0x1C180] =	vst v63  }
0xb5: {  	_ = 	snop  }
0xb6: {  	[hbm4b:s9+s3] =	stream.indirect_vreg.scatter [tilespmem:s21], [sflag:$0x1], $0x80, v3, vm0, $0xb8;
	[tilespmem:$0x1C180] =	vst v63  }
0xb7: {  	s26 =	simm.s32 $0x0  }
0xb8: {  	[hbm4b:s10+s3] =	stream.indirect_vreg.scatter [tilespmem:s22], [sflag:$0x1], $0x80, v3, vm0, $0xb8;
	[tilespmem:$0x1C180] =	vst v63  }
0xb9: {  	v3 =	vld [tilespmem:s26+$0x18100]  }
0xba: {  	v4 =	vld [tilespmem:s26+$0x18080];
	_ =	sdelay $0x3  }
0xbb: {  	v3 =	vadd.f32 $0.0e+00, v3  }
0xbc: {  	v4 =	vadd.f32 $0.0e+00, v4  }
0xbd: {  	v5 =	vbroadcast v3, $0x2  }
0xbe: {  	v6 =	vbroadcast v3, $0x3;
	v8 =	vbroadcast v4, $0x3  }
0xbf: {  	v9 =	vbroadcast v3, $0x4;
	v34 =	vbroadcast v3, $0x5  }
0xc0: {  	v35 =	vbroadcast v3, $0x6;
	v12 =	vbroadcast v3, $0x7  }
0xc1: {  	v37 =	vbroadcast v3, $0x8;
	v40 =	vbroadcast v3, $0x9  }
0xc2: {  	v42 =	vbroadcast v3, $0xA;
	v45 =	vbroadcast v3, $0xB  }
0xc3: {  	v48 =	vbroadcast v3, $0xC;
	v51 =	vbroadcast v3, $0xD  }
0xc4: {  	v54 =	vbroadcast v3, $0xE;
	v59 =	vbroadcast v4, $0x1  }
0xc5: {  	v57 =	vbroadcast v3, $0xF;
	v61 =	vbroadcast v3, $0x0;
	v3 =	vsel vm3, $0x0, v3  }
0xc6: {  	s26 =	simm.s32 $0x18580;
	v7 =	vbroadcast v4, $0x2;
	v6 =	vnsel vm1, $0x0, v6;
	v3 =	vsel vm4, v3, v59  }
0xc7: {  	v32 =	vbroadcast v4, $0x4;
	v5 =	vnsel vm1, $0x0, v5;
	v6 =	vsel vm4, v6, v8;
	[tilespmem:s26+$0xFFFFFC80] =	vst v3  }
0xc8: {  	v10 =	vbroadcast v4, $0x5;
	v33 =	vnsel vm1, $0x0, v9;
	v5 =	vsel vm4, v5, v7;
	[tilespmem:s26+$0xFFFFFD80] =	vst v6  }
0xc9: {  	v36 =	vbroadcast v4, $0x7;
	v9 =	vnsel vm1, $0x0, v34;
	v7 =	vsel vm4, v33, v32;
	[tilespmem:s26+$0xFFFFFD00] =	vst v5  }
0xca: {  	v60 =	vbroadcast v4, $0xF;
	v38 =	vnsel vm1, $0x0, v12;
	v9 =	vsel vm4, v9, v10;
	[tilespmem:s26+$0xFFFFFE00] =	vst v7  }
0xcb: {  	v11 =	vbroadcast v4, $0x6;
	v62 =	vnsel vm1, $0x0, v57;
	v10 =	vsel vm4, v38, v36;
	[tilespmem:s26+$0xFFFFFE80] =	vst v9  }
0xcc: {  	v44 =	vbroadcast v4, $0xA;
	v8 =	vnsel vm1, $0x0, v35;
	v63 =	vsel vm4, v62, v60;
	[tilespmem:s26+$0xFFFFFF80] =	vst v10  }
0xcd: {  	v39 =	vbroadcast v4, $0x8;
	v46 =	vnsel vm1, $0x0, v42;
	v8 =	vsel vm4, v8, v11;
	[tilespmem:s26+$0x380] =	vst v63  }
0xce: {  	v41 =	vbroadcast v4, $0x9;
	v6 =	vnsel vm1, $0x0, v37;
	v7 =	vsel vm4, v46, v44;
	[tilespmem:s26+$0xFFFFFF00] =	vst v8  }
0xcf: {  	v53 =	vbroadcast v4, $0xD;
	v43 =	vnsel vm1, $0x0, v40;
	v5 =	vsel vm4, v6, v39;
	[tilespmem:s26+$0x100] =	vst v7  }
0xd0: {  	v47 =	vbroadcast v4, $0xB;
	v55 =	vnsel vm1, $0x0, v51;
	v6 =	vsel vm4, v43, v41;
	[tilespmem:s26+$0x0] =	vst v5  }
0xd1: {  	v50 =	vbroadcast v4, $0xC;
	v49 =	vnsel vm1, $0x0, v45;
	v8 =	vsel vm4, v55, v53;
	[tilespmem:s26+$0x80] =	vst v6  }
0xd2: {  	v56 =	vbroadcast v4, $0xE;
	v52 =	vnsel vm1, $0x0, v48;
	v5 =	vsel vm4, v49, v47;
	[tilespmem:s26+$0x280] =	vst v8  }
0xd3: {  	v58 =	vnsel vm1, $0x0, v54;
	v6 =	vsel vm4, v52, v50;
	[tilespmem:s26+$0x180] =	vst v5  }
0xd4: {  	[tilespmem:s26+$0x200] =	vst v6;
	v5 =	vsel vm4, v58, v56;
	v6 =	vnsel vm1, $0x0, v61  }
0xd5: {  	[tilespmem:s26+$0x300] =	vst v5;
	v4 =	vsel vm2, v4, v6  }
0xd6: {  	s29 =	simm.s32 $0x10;
	s28 =	simm.s32 $0x80;
	[tilespmem:s26+$0xFFFFFC00] =	vst v4  }
.LBB2_2:
0xd7: {  	p0 =	sne.s32 s28, $0x1C0;
	v3 =	vld [tilespmem:s29+$0x18100]  }
0xd8: {  	v4 =	vld [tilespmem:s29+$0x18080];
	_ =	sdelay $0x3  }
0xd9: {  	v3 =	vadd.f32 $0.0e+00, v3  }
0xda: {  	v4 =	vadd.f32 $0.0e+00, v4  }
0xdb: {  	v5 =	vsel vm3, $0x0, v3;
	v6 =	vbroadcast v3, $0x2;
	v7 =	vbroadcast v3, $0x3  }
0xdc: {  	v8 =	vbroadcast v4, $0x2;
	v9 =	vbroadcast v4, $0x3  }
0xdd: {  	v10 =	vbroadcast v3, $0x4;
	v6 =	vnsel vm1, $0x0, v6;
	v7 =	vnsel vm1, $0x0, v7  }
0xde: {  	s26 =	sadd.s32 $0x800, s26;
	v6 =	vsel vm4, v6, v8;
	v7 =	vsel vm4, v7, v9;
	v8 =	vbroadcast v4, $0x4  }
0xdf: {  	v9 =	vbroadcast v4, $0x5;
	[tilespmem:s26+$0xFFFFFD80] =	vst v7;
	v7 =	vnsel vm1, $0x0, v10;
	v10 =	vbroadcast v3, $0x5  }
0xe0: {  	[tilespmem:s26+$0xFFFFFD00] =	vst v6;
	v6 =	vsel vm4, v7, v8;
	v7 =	vbroadcast v4, $0x6;
	v8 =	vbroadcast v3, $0x6  }
0xe1: {  	v11 =	vbroadcast v3, $0x7;
	[tilespmem:s26+$0xFFFFFE00] =	vst v6;
	v6 =	vnsel vm1, $0x0, v10;
	v10 =	vbroadcast v4, $0x7  }
0xe2: {  	v6 =	vsel vm4, v6, v9;
	v8 =	vnsel vm1, $0x0, v8;
	v9 =	vbroadcast v3, $0x8  }
0xe3: {  	[tilespmem:s26+$0xFFFFFE80] =	vst v6;
	v6 =	vsel vm4, v8, v7;
	v7 =	vnsel vm1, $0x0, v11;
	v8 =	vbroadcast v4, $0x8  }
0xe4: {  	[tilespmem:s26+$0xFFFFFF00] =	vst v6;
	v6 =	vsel vm4, v7, v10;
	v7 =	vnsel vm1, $0x0, v9;
	v9 =	vbroadcast v3, $0x9  }
0xe5: {  	[tilespmem:s26+$0xFFFFFF80] =	vst v6;
	v6 =	vsel vm4, v7, v8;
	v7 =	vbroadcast v4, $0x9;
	v8 =	vbroadcast v3, $0xA  }
0xe6: {  	v10 =	vbroadcast v3, $0xB;
	[tilespmem:s26+$0x0] =	vst v6;
	v6 =	vnsel vm1, $0x0, v9;
	v9 =	vbroadcast v4, $0xA  }
0xe7: {  	v6 =	vsel vm4, v6, v7;
	v7 =	vnsel vm1, $0x0, v8;
	v8 =	vbroadcast v4, $0xB  }
0xe8: {  	[tilespmem:s26+$0x80] =	vst v6;
	v6 =	vsel vm4, v7, v9;
	v7 =	vnsel vm1, $0x0, v10;
	v9 =	vbroadcast v3, $0xC  }
0xe9: {  	[tilespmem:s26+$0x100] =	vst v6;
	v6 =	vsel vm4, v7, v8;
	v7 =	vbroadcast v4, $0xC;
	v8 =	vbroadcast v3, $0xD  }
0xea: {  	v10 =	vbroadcast v3, $0xE;
	[tilespmem:s26+$0x180] =	vst v6;
	v6 =	vnsel vm1, $0x0, v9;
	v9 =	vbroadcast v4, $0xD  }
0xeb: {  	v6 =	vsel vm4, v6, v7;
	v7 =	vnsel vm1, $0x0, v8;
	v8 =	vbroadcast v4, $0xE  }
0xec: {  	[tilespmem:s26+$0x200] =	vst v6;
	v6 =	vsel vm4, v7, v9;
	v7 =	vnsel vm1, $0x0, v10;
	v9 =	vbroadcast v3, $0xF  }
0xed: {  	v10 =	vbroadcast v4, $0x1;
	[tilespmem:s26+$0x280] =	vst v6;
	v6 =	vsel vm4, v7, v8;
	v7 =	vbroadcast v4, $0xF  }
.Ltmp0:
0xee: {  	v3 =	vbroadcast v3, $0x0;
	[tilespmem:s26+$0x300] =	vst v6;
	v6 =	vnsel vm1, $0x0, v9;
	(pc) =	sbr.rel @p0 .LBB2_2-.Ltmp0, $4  }
0xef: {  	v5 =	vsel vm4, v5, v10;
	v6 =	vsel vm4, v6, v7  }
0xf0: {  	v3 =	vnsel vm1, $0x0, v3;
	[tilespmem:s26+$0x380] =	vst v6  }
0xf1: {  	v3 =	vsel vm2, v4, v3;
	[tilespmem:s26+$0xFFFFFC80] =	vst v5  }
0xf2: {  	s29 =	sshra.s32 s28, $0x2;
	s28 =	sadd.s32 $0x40, s28;
	[tilespmem:s26+$0xFFFFFC00] =	vst v3  }
0xf3: {  	v3 =	vld [tilespmem:s29+$0x18100]  }
0xf4: {  	v4 =	vld [tilespmem:s29+$0x18080];
	_ =	sdelay $0x3  }
0xf5: {  	v3 =	vadd.f32 $0.0e+00, v3  }
0xf6: {  	v4 =	vadd.f32 $0.0e+00, v4  }
0xf7: {  	v5 =	vbroadcast v3, $0x2  }
0xf8: {  	v6 =	vbroadcast v3, $0x3;
	v8 =	vbroadcast v4, $0x3  }
0xf9: {  	v9 =	vbroadcast v3, $0x4;
	v34 =	vbroadcast v3, $0x5  }
0xfa: {  	v35 =	vbroadcast v3, $0x6;
	v12 =	vbroadcast v3, $0x7  }
0xfb: {  	v37 =	vbroadcast v3, $0x8;
	v40 =	vbroadcast v3, $0x9  }
0xfc: {  	v42 =	vbroadcast v3, $0xA;
	v45 =	vbroadcast v3, $0xB  }
0xfd: {  	v48 =	vbroadcast v3, $0xC;
	v51 =	vbroadcast v3, $0xD  }
0xfe: {  	v54 =	vbroadcast v3, $0xE;
	v59 =	vbroadcast v4, $0x1  }
0xff: {  	v57 =	vbroadcast v3, $0xF;
	v61 =	vbroadcast v3, $0x0;
	v3 =	vsel vm3, $0x0, v3  }
0x100: {  	s26 =	sadd.s32 $0x800, s26;
	v7 =	vbroadcast v4, $0x2;
	v6 =	vnsel vm1, $0x0, v6;
	v3 =	vsel vm4, v3, v59  }
0x101: {  	v32 =	vbroadcast v4, $0x4;
	v5 =	vnsel vm1, $0x0, v5;
	v6 =	vsel vm4, v6, v8;
	[tilespmem:s26+$0xFFFFFC80] =	vst v3  }
0x102: {  	v10 =	vbroadcast v4, $0x5;
	v33 =	vnsel vm1, $0x0, v9;
	v5 =	vsel vm4, v5, v7;
	[tilespmem:s26+$0xFFFFFD80] =	vst v6  }
0x103: {  	v36 =	vbroadcast v4, $0x7;
	v9 =	vnsel vm1, $0x0, v34;
	v7 =	vsel vm4, v33, v32;
	[tilespmem:s26+$0xFFFFFD00] =	vst v5  }
0x104: {  	v60 =	vbroadcast v4, $0xF;
	v38 =	vnsel vm1, $0x0, v12;
	v9 =	vsel vm4, v9, v10;
	[tilespmem:s26+$0xFFFFFE00] =	vst v7  }
0x105: {  	v11 =	vbroadcast v4, $0x6;
	v62 =	vnsel vm1, $0x0, v57;
	v10 =	vsel vm4, v38, v36;
	[tilespmem:s26+$0xFFFFFE80] =	vst v9  }
0x106: {  	v44 =	vbroadcast v4, $0xA;
	v8 =	vnsel vm1, $0x0, v35;
	v63 =	vsel vm4, v62, v60;
	[tilespmem:s26+$0xFFFFFF80] =	vst v10  }
0x107: {  	v39 =	vbroadcast v4, $0x8;
	v46 =	vnsel vm1, $0x0, v42;
	v8 =	vsel vm4, v8, v11;
	[tilespmem:s26+$0x380] =	vst v63  }
0x108: {  	v41 =	vbroadcast v4, $0x9;
	v6 =	vnsel vm1, $0x0, v37;
	v7 =	vsel vm4, v46, v44;
	[tilespmem:s26+$0xFFFFFF00] =	vst v8  }
0x109: {  	v53 =	vbroadcast v4, $0xD;
	v43 =	vnsel vm1, $0x0, v40;
	v5 =	vsel vm4, v6, v39;
	[tilespmem:s26+$0x100] =	vst v7  }
0x10a: {  	v47 =	vbroadcast v4, $0xB;
	v55 =	vnsel vm1, $0x0, v51;
	v6 =	vsel vm4, v43, v41;
	[tilespmem:s26+$0x0] =	vst v5  }
0x10b: {  	v50 =	vbroadcast v4, $0xC;
	v49 =	vnsel vm1, $0x0, v45;
	v8 =	vsel vm4, v55, v53;
	[tilespmem:s26+$0x80] =	vst v6  }
0x10c: {  	v56 =	vbroadcast v4, $0xE;
	v52 =	vnsel vm1, $0x0, v48;
	v5 =	vsel vm4, v49, v47;
	[tilespmem:s26+$0x280] =	vst v8  }
0x10d: {  	v58 =	vnsel vm1, $0x0, v54;
	v6 =	vsel vm4, v52, v50;
	[tilespmem:s26+$0x180] =	vst v5  }
0x10e: {  	[tilespmem:s26+$0x200] =	vst v6;
	v5 =	vsel vm4, v58, v56;
	v6 =	vnsel vm1, $0x0, v61  }
0x10f: {  	[tilespmem:s26+$0x300] =	vst v5;
	v4 =	vsel vm2, v4, v6  }
0x110: {  	s29 =	rddreg [dreg:$0x2];
	s25 =	sadd.s32 $0x1, s25;
	[tilespmem:s26+$0xFFFFFC00] =	vst v4  }
0x111: {  	[hbm4b:s29+s13] =	stream.indirect.scatter [tilespmem:s23], [sflag:$0x1], $0x80, s3, s13, $0xb8;
	[tilespmem:$0x1C180] =	vst v63  }
0x112: {  	p0 =	sne.s32 s25, s11;
	_ =	swait.ge [sflag:s24], $0x18000  }
.Ltmp1:
0x113: {  	[sflag:s24] =	ssyncset.done $0x0;
	(pc) =	sbr.rel @p0 .LBB2_1-.Ltmp1, $4  }
0x114: {  	[sflag:s24] =	ssyncadd.s32 $0xFFFE8000  }
0x115: {  	_ =	swait.ge [sflag:s24], $0x4000  }
0x116: {  	[sflag:s24] =	ssyncset.done $0x0  }
0x117: {  	[sflag:s24] =	ssyncadd.s32 $0xFFFFC000  }
0x118: {  	_ =	sfence.sel $0x180000  }
0x119: {  	[bflag:$0x0] =	sbarrier.arrive $0xFFFF  }
0x11a: {  	_ =	strace $0x90000047  }
0x11b: {  	s0 =	stileid.u32;
	[bflag:$0x2] =	sbarrier.arrive $0xFFFF  }
0x11c: {  	p0 =	sne.s32 s0, $0x0;
	s0 =	rddreg [dreg:$0x3]  }
0x11d: {  	s0 =	sadd.s32 @!p0 $0x100000, s0  }
0x11e: {  	[sflag:s0] =	ssyncadd.tile.s32 @!p0 $0x1;
	_ =	shalt  }
.Lfunc_end2:
_tile_overlayer_lowered:
.L_overlay_start_2:
0x11f: {  	(tag) =	ssettag $0x2  }
0x120: {  	s0 =	rddreg [dreg:$0x0];
	s2 =	stileid.u32  }
0x121: {  	s1 =	rddreg [dreg:$0x1];
	p0 =	sne.s32 s2, $0x0  }
0x122: {  	s3 =	rddreg [dreg:$0x2];
	[bflag:$0x3] =	sbarrier.arrive $0xFFFF;
	s2 =	simm.s32 @!p0 $0x1C02  }
0x123: {  	[timem:s3], [sflag:s2] =	dma.local @!p0 [hbm:s0], s1  }
0x124: {  	s0 =	simm.s32 @!p0 $0x2  }
0x125: {  	_ =	swait.ge @!p0 [sflag:s0], s1  }
0x126: {  	s1 =	ssub.s32 @!p0 $0x0, s1;
	[sflag:s0] =	ssyncset.done @!p0 $0x0  }
0x127: {  	[sflag:s0] =	ssyncadd.s32 @!p0 s1  }
0x128: {  	[bflag:$0x3] =	sbarrier.arrive $0xFFFF  }
0x129: {  	_ =	shalt  }

// kernel: kernel.9.cloned.1.call-start
scs
__scs_entry_jumppad:
0x0: {  	(pc) =	sbr.rel $0x88, $3  }
0x1: {  	(tag) =	ssettag $0x0;
	lr =	simm.s32 $0x1  }
0x2: {  	[smem:$0x3F9C] =	sst lr;
	_ =	strace $0xD0000000  }
0x3: {  	_ = 	snop  }
0x4: {  	_ = 	snop  }
0x5: {  	_ = 	snop  }
0x6: {  	_ = 	snop  }
0x7: {  	_ = 	snop  }
__scs_overlays_trampoline_lowered:
0x8: {  	[smem:$0x3FAB] =	sst s0  }
0x9: {  	[smem:$0x3FAC] =	sst s1  }
0xa: {  	[smem:$0x3FAD] =	sst s2  }
0xb: {  	[smem:$0x3FAE] =	sst s3  }
0xc: {  	[smem:$0x3FAF] =	sst s4  }
0xd: {  	[smem:$0x3FB0] =	sst s5  }
0xe: {  	[smem:$0x3FB1] =	sst s6  }
0xf: {  	[smem:$0x3FB2] =	sst s7  }
0x10: {  	[smem:$0x3FB3] =	sst s8  }
0x11: {  	[smem:$0x3FB4] =	sst s9;
	s0 =	simm.s32 @!p0 $0x0  }
0x12: {  	s1 =	sld [smem:$0x3F9A];
	s0 =	simm.s32 @p0 $0x1  }
0x13: {  	[smem:$0x3FB5] =	sst s0;
	s0 =	simm.s32 @!p1 $0x0  }
0x14: {  	s2 =	sld [smem:$0x3F99];
	s0 =	simm.s32 @p1 $0x1  }
0x15: {  	[smem:$0x3FB6] =	sst s0;
	s0 =	simm.s32 @!p2 $0x0  }
0x16: {  	s3 =	sld [smem:$0x3FDB];
	s0 =	simm.s32 @p2 $0x1  }
0x17: {  	s4 =	simm.s32 $0x1BF5;
	[smem:$0x3FB8] =	sst s0  }
0x18: {  	s0 =	sld [smem:$0x3F9B];
	_ =	swait.ge [sflag:s4], $0x0  }
0x19: {  	s7 =	sld [smem:$0x3F9C]  }
0x1a: {  	s8 =	sadd.s32 $0xFFFFE003, lr  }
0x1b: {  	s9 =	sadd.s32 $0xFFFFFEF7, lr;
	s5 =	simm.s32 $0xFFFFFFFF;
	p2 =	slt.u32 s8, $0xFFFFF086  }
0x1c: {  	p1 =	slt.u32 s9, $0xF7A;
	s5 =	simm.s32 @!p2 $0x0  }
0x1d: {  	s5 =	simm.s32 @p1 $0x1;
	p0 =	seq.s32 s7, s2  }
0x1e: {  	s7 =	smul.u32 @!p0 $0xF7A, s2;
	p2 =	seq.s32 @!p0 s5, $0x0  }
0x1f: {  	s9 =	smul.u32 $0xF7A, s1;
	s8 =	simm.s32 @!p0 $0x1BF5;
	p2 =	por !p2, p0  }
0x20: {  	[sflag:s8] =	ssyncset.s32 @!p0 $0xFFFFF086;
	s6 =	sadd.s32 @!p0 s3, s7;
	s7 =	simm.s32 @!p0 $0x108  }
0x21: {  	s3 =	sadd.s32 s3, s9;
	s6 =	sadd.s32 @!p0 $0x88, s6;
	s7 =	simm.s32 @p2 $0x1082  }
0x22: {  	[simem:s7], [sflag:s8] =	dma.local @!p0 [hbm:s6], $0xF7A  }
0x23: {  	s9 =	sor.u32 $0xD0000000, s2;
	s6 =	simm.s32 $0x108;
	_ =	swait.ge @!p0 [sflag:s8], $0x0  }
0x24: {  	s3 =	sadd.s32 $0x88, s3;
	s6 =	simm.s32 @!p1 $0x1082;
	[sflag:s4] =	ssyncset.s32 $0xFFFFF086  }
0x25: {  	[simem:s6], [sflag:s4] =	dma.local [hbm:s3], $0xF7A  }
0x26: {  	[smem:$0x3F9C] =	sst s1;
	(tag) =	ssettag s2;
	_ =	strace s9  }
0x27: {  	s1 =	sld [smem:$0x3FAC]  }
0x28: {  	s2 =	sld [smem:$0x3FAD]  }
0x29: {  	s4 =	sld [smem:$0x3FAF]  }
0x2a: {  	p0 =	seq.s32 s5, $0x0;
	s5 =	sld [smem:$0x3FB0]  }
0x2b: {  	s6 =	sld [smem:$0x3FB1]  }
0x2c: {  	s7 =	sld [smem:$0x3FB2]  }
0x2d: {  	s3 =	simm.s32 $0x108;
	s8 =	sld [smem:$0x3FB3]  }
0x2e: {  	s3 =	simm.s32 @!p0 $0x1082;
	s9 =	sld [smem:$0x3FB4]  }
0x2f: {  	lr =	sadd.s32 s0, s3;
	s0 =	sld [smem:$0x3FAB]  }
0x30: {  	s3 =	sld [smem:$0x3FAE]  }
0x31: {  	[smem:$0x3FB7] =	sst s10  }
0x32: {  	s10 =	sld [smem:$0x3FB5];
	_ =	sdelay $0x3  }
0x33: {  	p0 =	seq.s32 s10, $0x1;
	s10 =	sld [smem:$0x3FB7];
	_ =	sdelay $0x3  }
0x34: {  	[smem:$0x3FB7] =	sst s10  }
0x35: {  	s10 =	sld [smem:$0x3FB6];
	_ =	sdelay $0x3  }
0x36: {  	p1 =	seq.s32 s10, $0x1;
	s10 =	sld [smem:$0x3FB7];
	_ =	sdelay $0x3  }
0x37: {  	[smem:$0x3FB7] =	sst s10  }
0x38: {  	s10 =	sld [smem:$0x3FB8]  }
0x39: {  	_ = 	snop;
	(pc) =	sbr.ind lr, $3  }
0x3a: {  	_ = 	snop  }
0x3b: {  	_ = 	snop  }
0x3c: {  	p2 =	seq.s32 s10, $0x1;
	s10 =	sld [smem:$0x3FB7]  }
0x3d: {  	_ =	shalt  }
0x3e: {  	_ =	shalt  }
0x3f: {  	_ =	shalt  }
0x40: {  	_ =	shalt  }
0x41: {  	_ =	shalt  }
0x42: {  	_ =	shalt  }
0x43: {  	_ =	shalt  }
0x44: {  	_ =	shalt  }
0x45: {  	_ =	shalt  }
0x46: {  	_ =	shalt  }
0x47: {  	_ =	shalt  }
0x48: {  	_ =	shalt  }
0x49: {  	_ =	shalt  }
0x4a: {  	_ =	shalt  }
0x4b: {  	_ =	shalt  }
0x4c: {  	_ =	shalt  }
0x4d: {  	_ =	shalt  }
0x4e: {  	_ =	shalt  }
0x4f: {  	_ =	shalt  }
0x50: {  	_ =	shalt  }
0x51: {  	_ =	shalt  }
0x52: {  	_ =	shalt  }
0x53: {  	_ =	shalt  }
0x54: {  	_ =	shalt  }
0x55: {  	_ =	shalt  }
0x56: {  	_ =	shalt  }
0x57: {  	_ =	shalt  }
0x58: {  	_ =	shalt  }
0x59: {  	_ =	shalt  }
0x5a: {  	_ =	shalt  }
0x5b: {  	_ =	shalt  }
0x5c: {  	_ =	shalt  }
0x5d: {  	_ =	shalt  }
0x5e: {  	_ =	shalt  }
0x5f: {  	_ =	shalt  }
0x60: {  	_ =	shalt  }
0x61: {  	_ =	shalt  }
0x62: {  	_ =	shalt  }
0x63: {  	_ =	shalt  }
0x64: {  	_ =	shalt  }
0x65: {  	_ =	shalt  }
0x66: {  	_ =	shalt  }
0x67: {  	_ =	shalt  }
0x68: {  	_ =	shalt  }
0x69: {  	_ =	shalt  }
0x6a: {  	_ =	shalt  }
0x6b: {  	_ =	shalt  }
0x6c: {  	_ =	shalt  }
0x6d: {  	_ =	shalt  }
0x6e: {  	_ =	shalt  }
0x6f: {  	_ =	shalt  }
0x70: {  	_ =	shalt  }
0x71: {  	_ =	shalt  }
0x72: {  	_ =	shalt  }
0x73: {  	_ =	shalt  }
0x74: {  	_ =	shalt  }
0x75: {  	_ =	shalt  }
0x76: {  	_ =	shalt  }
0x77: {  	_ =	shalt  }
0x78: {  	_ =	shalt  }
0x79: {  	_ =	shalt  }
0x7a: {  	_ =	shalt  }
0x7b: {  	_ =	shalt  }
0x7c: {  	_ =	shalt  }
0x7d: {  	_ =	shalt  }
0x7e: {  	_ =	shalt  }
0x7f: {  	_ =	shalt  }
0x80: {  	_ =	shalt  }
0x81: {  	_ =	shalt  }
0x82: {  	_ =	shalt  }
0x83: {  	_ =	shalt  }
0x84: {  	_ =	shalt  }
0x85: {  	_ =	shalt  }
0x86: {  	_ =	shalt  }
0x87: {  	_ =	shalt  }
.Lfunc_end0:
.L_simem_size_0:
called_computation.1_lowered:
.L_overlay_start_0:
0x88: {  	s2 =	sld [smem:$0x3FD9]  }
0x89: {  	s3 =	sld [smem:$0x3FFE];
	_ =	sdelay $0x1  }
0x8a: {  	s1 =	srdreg.scid  }
0x8b: {  	s0 =	sand.u32 $0x1, s1  }
0x8c: {  	s17 =	sshll.u32 s0, $0xA;
	s2 =	sadd.s32 s3, s2  }
0x8d: {  	s2 =	sadd.s32 s2, s17  }
0x8e: {  	[smem:$0x3FC3] =	sst s2  }
0x8f: {  	_ = 	snop  }
0x90: {  	s2 =	sld [smem:$0x3FD0];
	(tm) =	ssettm $0x1  }
0x91: {  	s18 =	sld [smem:$0x3FFB];
	_ =	sdelay $0x3  }
0x92: {  	_ =	strace s18  }
0x93: {  	s3 =	sld [smem:$0x3FFC];
	_ =	sdelay $0x3  }
0x94: {  	_ =	strace s3  }
0x95: {  	s3 =	sld [smem:$0x3FFD];
	_ =	sdelay $0x3  }
0x96: {  	_ =	strace s3  }
0x97: {  	_ =	strace $0x8FFFFFFF  }
0x98: {  	s19 =	sld [smem:$0x3FDB];
	_ =	sdelay $0x1  }
0x99: {  	s4 =	simm.s32 $_scs_section_size  }
0x9a: {  	s5 =	simm.s32 $_size__tile_overlayer_lowered;
	s6 =	simm.s32 $_tile_overlayer_lowered  }
0x9b: {  	s22 =	simm.s32 $0x1BFF;
	s21 =	sshll.u32 s6, $0x1;
	s3 =	sadd.s32 s4, s19  }
0x9c: {  	s7 =	simm.s32 $0x0;
	s20 =	sshll.u32 s5, $0x1;
	s5 =	sadd.s32 s21, s3  }
0x9d: {  	[timem:s7], [sflag:s22] =	dma.local [hbm:s5], s20  }
0x9e: {  	_ =	swait.ge [sflag:s22], s20  }
0x9f: {  	s4 =	ssub.s32 $0x0, s20;
	[sflag:s22] =	ssyncset.done $0x0  }
0xa0: {  	[sflag:s22] =	ssyncadd.s32 s4;
	_ =	sdelay $0x1  }
0xa1: {  	s23 =	simm.s32 $0x1B8B  }
0xa2: {  	_ =	swait.ge [sflag:s23], $0x1  }
0xa3: {  	[sflag:s23] =	ssyncset.done $0x0  }
0xa4: {  	s25 =	simm.s32 $0x1B8E;
	s24 =	sld [smem:$0x3FFE];
	[sflag:s23] =	ssyncadd.s32 $0xFFFFFFFF  }
0xa5: {  	s26 =	simm.s32 $execute0_lowered;
	[smem:$0x3FD2] =	sst s25  }
0xa6: {  	s5 =	sshll.u32 s26, $0x1;
	_ =	strace $0x80000049;
	[dreg:$0x1] =	wrdreg $0xFFFFFFFF  }
0xa7: {  	s28 =	simm.s32 $_size_execute0_lowered;
	s3 =	sadd.s32 s3, s5;
	[dreg:$0x0] =	wrdreg $0x0  }
0xa8: {  	s5 =	sshll.u32 s28, $0x1;
	[dreg:$0x2] =	wrdreg s3  }
0xa9: {  	[dreg:$0x3] =	wrdreg s5  }
0xaa: {  	[dreg:$0x4] =	wrdreg $0xC0  }
0xab: {  	_ =	task [dreg:s7], $0x5FFFF  }
0xac: {  	[dreg:$0x1] =	wrdreg $0xFFFFFFFF  }
0xad: {  	[dreg:$0x0] =	wrdreg $0x60  }
0xae: {  	[dreg:$0x2] =	wrdreg s24  }
0xaf: {  	[dreg:$0x3] =	wrdreg s2  }
0xb0: {  	[dreg:$0x4] =	wrdreg $0x9  }
0xb1: {  	_ =	task.clear_ibuf [dreg:s7], $0x5FFFF;
	_ =	strace $0x90000049  }
0xb2: {  	s29 =	simm.s32 $0x9;
	_ =	strace $0x8000004B  }
0xb3: {  	_ =	swait.ge [sflag:s29], $0x1  }
0xb4: {  	[sflag:s29] =	ssyncadd.s32 $0xFFFFFFFF  }
0xb5: {  	_ =	strace $0x9000004B  }
0xb6: {  	_ =	sfence  }
0xb7: {  	s30 =	sld [smem:$0x0];
	_ =	sdelay $0x2  }
0xb8: {  	s31 =	sshll.u32 s1, $0xD;
	s1 =	sshrl.u32 s1, $0x2  }
0xb9: {  	s3 =	sand.u32 $0x4000, s31;
	s1 =	sadd.s32 s1, s30  }
0xba: {  	s0 =	sor.u32 s3, s0;
	s1 =	sshll.u32 s1, $0x11  }
0xbb: {  	s0 =	sor.u32 s1, s0  }
0xbc: {  	s0 =	sadd.s32 $0x8F2B, s0  }
0xbd: {  	[sflag:s0] =	ssyncadd.remote.s32 $0x1  }
0xbe: {  	_ =	sfence.sel $0xFFFF  }
0xbf: {  	[dreg:$0x0] =	wrdreg $0xFFFFFFFF;
	(pc) =	sbr.abs _section_cstart, $3  }
0xc0: {  	[dreg:$0x1] =	wrdreg $0xFFFFFFFF  }
0xc1: {  	_ =	task.clear_ibuf [dreg:s7], $0x2FFFF;
	_ =	strace $0x9FFFFFFF  }
0xc2: {  	(tm) =	ssettm $0x7FFFFFFF  }
0xc3: {  	_ =	shalt  }
tec
execute0_lowered:
.L_overlay_start_1:
0x0: {  	(tag) =	ssettag $0x1  }
0x1: {  	s1 =	srdreg.scid  }
0x2: {  	s0 =	stileid.u32;
	s1 =	sand.u32 $0x1, s1  }
0x3: {  	s5 =	rddreg [dreg:$0x0];
	s2 =	sshll.u32 s0, $0x8;
	s3 =	sshll.u32 s1, $0x7  }
0x4: {  	s4 =	rddreg [dreg:$0x1];
	s3 =	sor.u32 s3, s2;
	s2 =	simm.s32 $0x0  }
0x5: {  	s25 =	simm.s32 $0x880;
	[smem:$0x7FF] =	sst s2  }
0x6: {  	s26 =	simm.s32 $0x1080;
	_ =	strace $0x8000004A;
	[dreg:$0x5] =	wrdreg s25  }
0x7: {  	s0 =	simm.s32 $0x1880;
	[dreg:$0x6] =	wrdreg s26  }
0x8: {  	s7 =	simm.s32 $0x3080;
	[dreg:$0x7] =	wrdreg s0  }
0x9: {  	s8 =	simm.s32 $0x3880;
	[dreg:$0xa] =	wrdreg s7  }
0xa: {  	s9 =	simm.s32 $0x4080;
	[dreg:$0xb] =	wrdreg s8  }
0xb: {  	s10 =	simm.s32 $0x4880;
	[dreg:$0xc] =	wrdreg s9  }
0xc: {  	s11 =	simm.s32 $0x5080;
	s12 =	simm.s32 $0x5880;
	[dreg:$0xd] =	wrdreg s10  }
0xd: {  	s13 =	simm.s32 $0x6080;
	s14 =	simm.s32 $0x6880;
	[dreg:$0xe] =	wrdreg s11  }
0xe: {  	s15 =	simm.s32 $0x7080;
	s16 =	simm.s32 $0x7880;
	[dreg:$0xf] =	wrdreg s12  }
0xf: {  	s17 =	simm.s32 $0x8080;
	s18 =	simm.s32 $0x8880;
	[dreg:$0x10] =	wrdreg s13  }
0x10: {  	s19 =	simm.s32 $0x9080;
	s21 =	simm.s32 $0x9880;
	[dreg:$0x11] =	wrdreg s14  }
0x11: {  	s22 =	simm.s32 $0xA080;
	s23 =	simm.s32 $0xA880;
	[dreg:$0x12] =	wrdreg s15  }
0x12: {  	s28 =	simm.s32 $0x16080;
	s29 =	simm.s32 $0x16880;
	[dreg:$0x13] =	wrdreg s16  }
0x13: {  	s30 =	simm.s32 $0x17080;
	s1 =	ssub.s32 $0x2, s1;
	[dreg:$0x14] =	wrdreg s17  }
0x14: {  	s31 =	simm.s32 $0x17880;
	s20 =	sshrl.u32 s1, $0x1;
	[dreg:$0x15] =	wrdreg s18  }
0x15: {  	s6 =	sshrl.u32 s3, $0x3;
	s3 =	sadd.s32 s3, s5;
	[dreg:$0x16] =	wrdreg s19  }
0x16: {  	s1 =	ssub.s32 s1, s20;
	s20 =	simm.s32 $0x12880;
	[dreg:$0x17] =	wrdreg s21  }
0x17: {  	s6 =	smul.u32 $0x300, s6;
	s3 =	sadd.s32 $0x1C00, s3;
	[dreg:$0x18] =	wrdreg s22  }
0x18: {  	[dreg:$0x19] =	wrdreg s23;
	s7 =	simm.s32 $0xB080;
	s25 =	simm.s32 $0xC080  }
0x19: {  	s8 =	simm.s32 $0x80;
	s26 =	simm.s32 $0xC880;
	s10 =	simm.s32 $0xD880  }
0x1a: {  	s11 =	simm.s32 $0xE080;
	s12 =	simm.s32 $0xE880;
	s13 =	simm.s32 $0xF080  }
0x1b: {  	s14 =	simm.s32 $0xF880;
	s15 =	simm.s32 $0x10080;
	s16 =	simm.s32 $0x10880  }
0x1c: {  	s17 =	simm.s32 $0x11080;
	s18 =	simm.s32 $0x11880;
	[dreg:$0x3] =	wrdreg s3  }
0x1d: {  	s19 =	simm.s32 $0x12080;
	s21 =	simm.s32 $0x13080;
	[dreg:$0x1a] =	wrdreg s7  }
0x1e: {  	s22 =	simm.s32 $0x13880;
	s23 =	simm.s32 $0x14080;
	[dreg:$0x1c] =	wrdreg s25  }
0x1f: {  	s3 =	sadd.s32 $0x2C00, s5;
	[dreg:$0x1d] =	wrdreg s26;
	s24 =	sadd.s32 s4, s6  }
0x20: {  	s7 =	simm.s32 $0x2;
	s4 =	simm.s32 $0x2080;
	[dreg:$0x4] =	wrdreg s24  }
0x21: {  	s25 =	simm.s32 $0x15080;
	s6 =	simm.s32 $0x2880;
	[dreg:$0x8] =	wrdreg s4  }
0x22: {  	v2 =	vlaneseq.u32;
	s26 =	simm.s32 $0x15880;
	[dreg:$0x9] =	wrdreg s6;
	s4 =	sadd.s32 $0x2D00, s5  }
0x23: {  	vm0 =	vmmov $0xffff;
	v1 =	vshrl.u32 v2, $0x3;
	s5 =	sadd.s32 $0x2E00, s5;
	s6 =	smax.u32 s1, $0x1;
	s24 =	simm.s32 $0xB880  }
0x24: {  	v0 =	vand.u32 $0x7, v2;
	v2 =	vor.u32 $0x8, v2;
	v1 =	vmul.u32 $0x8, v1;
	s1 =	simm.s32 $0x1;
	[dreg:$0x1b] =	wrdreg s24;
	s24 =	simm.s32 $0x14880  }
.LBB2_1:
0x25: {  	s0 =	rddreg [dreg:$0x3]  }
0x26: {  	[tilespmem:s2], [sflag:$0x2] =	stream.linear.gather [hbm4b:s0+s2], $0x80, $0x38;
	[tilespmem:$0x18080] =	vst v63  }
0x27: {  	_ =	swait.ge [sflag:s7], $0x80  }
0x28: {  	[sflag:s7] =	ssyncset.done $0x0  }
0x29: {  	[sflag:s7] =	ssyncadd.s32 $0xFFFFFF80  }
0x2a: {  	v3 =	vld [tilespmem:$0x0];
	_ =	sdelay $0x4  }
0x2b: {  	v4 =	vshrl.u32 v3, $0x3  }
0x2c: {  	v4 =	vmul.u32 $0x30, v4  }
0x2d: {  	v3 =	vand.u32 $0x7, v3  }
0x2e: {  	v3 =	vor.u32 v3, v4  }
0x2f: {  	v4 =	vperm.xlane v3, v0;
	_ =	sdelay $0x1  }
0x30: {  	v4 =	vadd.s32 v1, v4;
	_ =	sdelay $0x3  }
0x31: {  	v3 =	vperm.xlane v3, v2  }
0x32: {  	[tilespmem:s8], [sflag:$0x1] =	stream.indirect_vreg.gather [hbm4b:s3+s2], $0x80, v4, vm0, $0xb8;
	[tilespmem:$0x18080] =	vst v63  }
0x33: {  	s0 =	rddreg [dreg:$0x5];
	v3 =	vadd.s32 v1, v3  }
0x34: {  	[tilespmem:s0], [sflag:$0x1] =	stream.indirect_vreg.gather [hbm4b:s4+s2], $0x80, v4, vm0, $0xb8;
	[tilespmem:$0x18080] =	vst v63  }
0x35: {  	s9 =	rddreg [dreg:$0x6]  }
0x36: {  	[tilespmem:s9], [sflag:$0x1] =	stream.indirect_vreg.gather [hbm4b:s5+s2], $0x80, v4, vm0, $0xb8;
	[tilespmem:$0x18080] =	vst v63  }
0x37: {  	s0 =	rddreg [dreg:$0x7]  }
0x38: {  	[tilespmem:s0], [sflag:$0x1] =	stream.indirect_vreg.gather [hbm4b:s3+s2], $0x80, v3, vm0, $0xb8;
	[tilespmem:$0x18080] =	vst v63  }
0x39: {  	s9 =	rddreg [dreg:$0x8]  }
0x3a: {  	[tilespmem:s9], [sflag:$0x1] =	stream.indirect_vreg.gather [hbm4b:s4+s2], $0x80, v3, vm0, $0xb8;
	[tilespmem:$0x18080] =	vst v63  }
0x3b: {  	s0 =	rddreg [dreg:$0x9]  }
0x3c: {  	[tilespmem:s0], [sflag:$0x1] =	stream.indirect_vreg.gather [hbm4b:s5+s2], $0x80, v3, vm0, $0xb8;
	[tilespmem:$0x18080] =	vst v63  }
0x3d: {  	v3 =	vld [tilespmem:$0x10];
	_ =	sdelay $0x4  }
0x3e: {  	v57 =	vshrl.u32 v3, $0x3  }
0x3f: {  	v4 =	vmul.u32 $0x30, v57  }
0x40: {  	v3 =	vand.u32 $0x7, v3  }
0x41: {  	v3 =	vor.u32 v3, v4  }
0x42: {  	v4 =	vperm.xlane v3, v0;
	_ =	sdelay $0x1  }
0x43: {  	v4 =	vadd.s32 v1, v4;
	_ =	sdelay $0x3  }
0x44: {  	s0 =	rddreg [dreg:$0xa];
	v3 =	vperm.xlane v3, v2  }
0x45: {  	[tilespmem:s0], [sflag:$0x1] =	stream.indirect_vreg.gather [hbm4b:s3+s2], $0x80, v4, vm0, $0xb8;
	[tilespmem:$0x18080] =	vst v63  }
0x46: {  	s9 =	rddreg [dreg:$0xb];
	v3 =	vadd.s32 v1, v3  }
0x47: {  	[tilespmem:s9], [sflag:$0x1] =	stream.indirect_vreg.gather [hbm4b:s4+s2], $0x80, v4, vm0, $0xb8;
	[tilespmem:$0x18080] =	vst v63  }
0x48: {  	s0 =	rddreg [dreg:$0xc]  }
0x49: {  	[tilespmem:s0], [sflag:$0x1] =	stream.indirect_vreg.gather [hbm4b:s5+s2], $0x80, v4, vm0, $0xb8;
	[tilespmem:$0x18080] =	vst v63  }
0x4a: {  	s9 =	rddreg [dreg:$0xd]  }
0x4b: {  	[tilespmem:s9], [sflag:$0x1] =	stream.indirect_vreg.gather [hbm4b:s3+s2], $0x80, v3, vm0, $0xb8;
	[tilespmem:$0x18080] =	vst v63  }
0x4c: {  	s0 =	rddreg [dreg:$0xe]  }
0x4d: {  	[tilespmem:s0], [sflag:$0x1] =	stream.indirect_vreg.gather [hbm4b:s4+s2], $0x80, v3, vm0, $0xb8;
	[tilespmem:$0x18080] =	vst v63  }
0x4e: {  	s9 =	rddreg [dreg:$0xf]  }
0x4f: {  	[tilespmem:s9], [sflag:$0x1] =	stream.indirect_vreg.gather [hbm4b:s5+s2], $0x80, v3, vm0, $0xb8;
	[tilespmem:$0x18080] =	vst v63  }
0x50: {  	v3 =	vld [tilespmem:$0x20];
	_ =	sdelay $0x4  }
0x51: {  	v58 =	vshrl.u32 v3, $0x3  }
0x52: {  	v4 =	vmul.u32 $0x30, v58  }
0x53: {  	v3 =	vand.u32 $0x7, v3  }
0x54: {  	v3 =	vor.u32 v3, v4  }
0x55: {  	v4 =	vperm.xlane v3, v0;
	_ =	sdelay $0x1  }
0x56: {  	v4 =	vadd.s32 v1, v4;
	_ =	sdelay $0x3  }
0x57: {  	s0 =	rddreg [dreg:$0x10];
	v3 =	vperm.xlane v3, v2  }
0x58: {  	[tilespmem:s0], [sflag:$0x1] =	stream.indirect_vreg.gather [hbm4b:s3+s2], $0x80, v4, vm0, $0xb8;
	[tilespmem:$0x18080] =	vst v63  }
0x59: {  	s9 =	rddreg [dreg:$0x11];
	v3 =	vadd.s32 v1, v3  }
0x5a: {  	[tilespmem:s9], [sflag:$0x1] =	stream.indirect_vreg.gather [hbm4b:s4+s2], $0x80, v4, vm0, $0xb8;
	[tilespmem:$0x18080] =	vst v63  }
0x5b: {  	s0 =	rddreg [dreg:$0x12]  }
0x5c: {  	[tilespmem:s0], [sflag:$0x1] =	stream.indirect_vreg.gather [hbm4b:s5+s2], $0x80, v4, vm0, $0xb8;
	[tilespmem:$0x18080] =	vst v63  }
0x5d: {  	s9 =	rddreg [dreg:$0x13]  }
0x5e: {  	[tilespmem:s9], [sflag:$0x1] =	stream.indirect_vreg.gather [hbm4b:s3+s2], $0x80, v3, vm0, $0xb8;
	[tilespmem:$0x18080] =	vst v63  }
0x5f: {  	s0 =	rddreg [dreg:$0x14]  }
0x60: {  	[tilespmem:s0], [sflag:$0x1] =	stream.indirect_vreg.gather [hbm4b:s4+s2], $0x80, v3, vm0, $0xb8;
	[tilespmem:$0x18080] =	vst v63  }
0x61: {  	s9 =	rddreg [dreg:$0x15]  }
0x62: {  	[tilespmem:s9], [sflag:$0x1] =	stream.indirect_vreg.gather [hbm4b:s5+s2], $0x80, v3, vm0, $0xb8;
	[tilespmem:$0x18080] =	vst v63  }
0x63: {  	v3 =	vld [tilespmem:$0x30];
	_ =	sdelay $0x4  }
0x64: {  	v59 =	vshrl.u32 v3, $0x3  }
0x65: {  	v4 =	vmul.u32 $0x30, v59  }
0x66: {  	v3 =	vand.u32 $0x7, v3  }
0x67: {  	v3 =	vor.u32 v3, v4  }
0x68: {  	v4 =	vperm.xlane v3, v0;
	_ =	sdelay $0x1  }
0x69: {  	v4 =	vadd.s32 v1, v4;
	_ =	sdelay $0x3  }
0x6a: {  	s0 =	rddreg [dreg:$0x16];
	v3 =	vperm.xlane v3, v2  }
0x6b: {  	[tilespmem:s0], [sflag:$0x1] =	stream.indirect_vreg.gather [hbm4b:s3+s2], $0x80, v4, vm0, $0xb8;
	[tilespmem:$0x18080] =	vst v63  }
0x6c: {  	s9 =	rddreg [dreg:$0x17];
	v3 =	vadd.s32 v1, v3  }
0x6d: {  	[tilespmem:s9], [sflag:$0x1] =	stream.indirect_vreg.gather [hbm4b:s4+s2], $0x80, v4, vm0, $0xb8;
	[tilespmem:$0x18080] =	vst v63  }
0x6e: {  	s0 =	rddreg [dreg:$0x18]  }
0x6f: {  	[tilespmem:s0], [sflag:$0x1] =	stream.indirect_vreg.gather [hbm4b:s5+s2], $0x80, v4, vm0, $0xb8;
	[tilespmem:$0x18080] =	vst v63  }
0x70: {  	s9 =	rddreg [dreg:$0x19]  }
0x71: {  	[tilespmem:s9], [sflag:$0x1] =	stream.indirect_vreg.gather [hbm4b:s3+s2], $0x80, v3, vm0, $0xb8;
	[tilespmem:$0x18080] =	vst v63  }
0x72: {  	s0 =	rddreg [dreg:$0x1a]  }
0x73: {  	[tilespmem:s0], [sflag:$0x1] =	stream.indirect_vreg.gather [hbm4b:s4+s2], $0x80, v3, vm0, $0xb8;
	[tilespmem:$0x18080] =	vst v63  }
0x74: {  	s9 =	rddreg [dreg:$0x1b]  }
0x75: {  	[tilespmem:s9], [sflag:$0x1] =	stream.indirect_vreg.gather [hbm4b:s5+s2], $0x80, v3, vm0, $0xb8;
	[tilespmem:$0x18080] =	vst v63  }
0x76: {  	v3 =	vld [tilespmem:$0x40];
	_ =	sdelay $0x4  }
0x77: {  	v60 =	vshrl.u32 v3, $0x3  }
0x78: {  	v4 =	vmul.u32 $0x30, v60  }
0x79: {  	v3 =	vand.u32 $0x7, v3  }
0x7a: {  	v3 =	vor.u32 v3, v4  }
0x7b: {  	v4 =	vperm.xlane v3, v0;
	_ =	sdelay $0x1  }
0x7c: {  	v4 =	vadd.s32 v1, v4;
	_ =	sdelay $0x3  }
0x7d: {  	s0 =	rddreg [dreg:$0x1c];
	v3 =	vperm.xlane v3, v2  }
0x7e: {  	[tilespmem:s0], [sflag:$0x1] =	stream.indirect_vreg.gather [hbm4b:s3+s2], $0x80, v4, vm0, $0xb8;
	[tilespmem:$0x18080] =	vst v63  }
0x7f: {  	s9 =	rddreg [dreg:$0x1d];
	v3 =	vadd.s32 v1, v3  }
0x80: {  	[tilespmem:s9], [sflag:$0x1] =	stream.indirect_vreg.gather [hbm4b:s4+s2], $0x80, v4, vm0, $0xb8;
	[tilespmem:$0x18080] =	vst v63  }
0x81: {  	s9 =	simm.s32 $0xD080  }
0x82: {  	[tilespmem:s9], [sflag:$0x1] =	stream.indirect_vreg.gather [hbm4b:s5+s2], $0x80, v4, vm0, $0xb8;
	[tilespmem:$0x18080] =	vst v63  }
0x83: {  	_ = 	snop  }
0x84: {  	[tilespmem:s10], [sflag:$0x1] =	stream.indirect_vreg.gather [hbm4b:s3+s2], $0x80, v3, vm0, $0xb8;
	[tilespmem:$0x18080] =	vst v63  }
0x85: {  	_ = 	snop  }
0x86: {  	[tilespmem:s11], [sflag:$0x1] =	stream.indirect_vreg.gather [hbm4b:s4+s2], $0x80, v3, vm0, $0xb8;
	[tilespmem:$0x18080] =	vst v63  }
0x87: {  	_ = 	snop  }
0x88: {  	[tilespmem:s12], [sflag:$0x1] =	stream.indirect_vreg.gather [hbm4b:s5+s2], $0x80, v3, vm0, $0xb8;
	[tilespmem:$0x18080] =	vst v63  }
0x89: {  	v3 =	vld [tilespmem:$0x50];
	_ =	sdelay $0x4  }
0x8a: {  	v61 =	vshrl.u32 v3, $0x3  }
0x8b: {  	v4 =	vmul.u32 $0x30, v61  }
0x8c: {  	v3 =	vand.u32 $0x7, v3  }
0x8d: {  	v3 =	vor.u32 v3, v4  }
0x8e: {  	v4 =	vperm.xlane v3, v0;
	_ =	sdelay $0x1  }
0x8f: {  	v4 =	vadd.s32 v1, v4;
	_ =	sdelay $0x3  }
0x90: {  	v3 =	vperm.xlane v3, v2  }
0x91: {  	[tilespmem:s13], [sflag:$0x1] =	stream.indirect_vreg.gather [hbm4b:s3+s2], $0x80, v4, vm0, $0xb8;
	[tilespmem:$0x18080] =	vst v63  }
0x92: {  	v3 =	vadd.s32 v1, v3  }
0x93: {  	[tilespmem:s14], [sflag:$0x1] =	stream.indirect_vreg.gather [hbm4b:s4+s2], $0x80, v4, vm0, $0xb8;
	[tilespmem:$0x18080] =	vst v63  }
0x94: {  	_ = 	snop  }
0x95: {  	[tilespmem:s15], [sflag:$0x1] =	stream.indirect_vreg.gather [hbm4b:s5+s2], $0x80, v4, vm0, $0xb8;
	[tilespmem:$0x18080] =	vst v63  }
0x96: {  	_ = 	snop  }
0x97: {  	[tilespmem:s16], [sflag:$0x1] =	stream.indirect_vreg.gather [hbm4b:s3+s2], $0x80, v3, vm0, $0xb8;
	[tilespmem:$0x18080] =	vst v63  }
0x98: {  	_ = 	snop  }
0x99: {  	[tilespmem:s17], [sflag:$0x1] =	stream.indirect_vreg.gather [hbm4b:s4+s2], $0x80, v3, vm0, $0xb8;
	[tilespmem:$0x18080] =	vst v63  }
0x9a: {  	_ = 	snop  }
0x9b: {  	[tilespmem:s18], [sflag:$0x1] =	stream.indirect_vreg.gather [hbm4b:s5+s2], $0x80, v3, vm0, $0xb8;
	[tilespmem:$0x18080] =	vst v63  }
0x9c: {  	v3 =	vld [tilespmem:$0x60];
	_ =	sdelay $0x4  }
0x9d: {  	v62 =	vshrl.u32 v3, $0x3  }
0x9e: {  	v4 =	vmul.u32 $0x30, v62  }
0x9f: {  	v3 =	vand.u32 $0x7, v3  }
0xa0: {  	v3 =	vor.u32 v3, v4  }
0xa1: {  	v4 =	vperm.xlane v3, v0;
	_ =	sdelay $0x1  }
0xa2: {  	v4 =	vadd.s32 v1, v4;
	_ =	sdelay $0x3  }
0xa3: {  	v3 =	vperm.xlane v3, v2  }
0xa4: {  	[tilespmem:s19], [sflag:$0x1] =	stream.indirect_vreg.gather [hbm4b:s3+s2], $0x80, v4, vm0, $0xb8;
	[tilespmem:$0x18080] =	vst v63  }
0xa5: {  	v3 =	vadd.s32 v1, v3  }
0xa6: {  	[tilespmem:s20], [sflag:$0x1] =	stream.indirect_vreg.gather [hbm4b:s4+s2], $0x80, v4, vm0, $0xb8;
	[tilespmem:$0x18080] =	vst v63  }
0xa7: {  	_ = 	snop  }
0xa8: {  	[tilespmem:s21], [sflag:$0x1] =	stream.indirect_vreg.gather [hbm4b:s5+s2], $0x80, v4, vm0, $0xb8;
	[tilespmem:$0x18080] =	vst v63  }
0xa9: {  	_ = 	snop  }
0xaa: {  	[tilespmem:s22], [sflag:$0x1] =	stream.indirect_vreg.gather [hbm4b:s3+s2], $0x80, v3, vm0, $0xb8;
	[tilespmem:$0x18080] =	vst v63  }
0xab: {  	_ = 	snop  }
0xac: {  	[tilespmem:s23], [sflag:$0x1] =	stream.indirect_vreg.gather [hbm4b:s4+s2], $0x80, v3, vm0, $0xb8;
	[tilespmem:$0x18080] =	vst v63  }
0xad: {  	_ = 	snop  }
0xae: {  	[tilespmem:s24], [sflag:$0x1] =	stream.indirect_vreg.gather [hbm4b:s5+s2], $0x80, v3, vm0, $0xb8;
	[tilespmem:$0x18080] =	vst v63  }
0xaf: {  	v3 =	vld [tilespmem:$0x70];
	_ =	sdelay $0x4  }
0xb0: {  	v63 =	vshrl.u32 v3, $0x3  }
0xb1: {  	v4 =	vmul.u32 $0x30, v63  }
0xb2: {  	v3 =	vand.u32 $0x7, v3  }
0xb3: {  	v3 =	vor.u32 v3, v4  }
0xb4: {  	v4 =	vperm.xlane v3, v0;
	_ =	sdelay $0x1  }
0xb5: {  	v4 =	vadd.s32 v1, v4;
	_ =	sdelay $0x3  }
0xb6: {  	v3 =	vperm.xlane v3, v2  }
0xb7: {  	[tilespmem:s25], [sflag:$0x1] =	stream.indirect_vreg.gather [hbm4b:s3+s2], $0x80, v4, vm0, $0xb8;
	[tilespmem:$0x18080] =	vst v63  }
0xb8: {  	v3 =	vadd.s32 v1, v3  }
0xb9: {  	[tilespmem:s26], [sflag:$0x1] =	stream.indirect_vreg.gather [hbm4b:s4+s2], $0x80, v4, vm0, $0xb8;
	[tilespmem:$0x18080] =	vst v63  }
0xba: {  	_ = 	snop  }
0xbb: {  	[tilespmem:s28], [sflag:$0x1] =	stream.indirect_vreg.gather [hbm4b:s5+s2], $0x80, v4, vm0, $0xb8;
	[tilespmem:$0x18080] =	vst v63  }
0xbc: {  	_ = 	snop  }
0xbd: {  	[tilespmem:s29], [sflag:$0x1] =	stream.indirect_vreg.gather [hbm4b:s3+s2], $0x80, v3, vm0, $0xb8;
	[tilespmem:$0x18080] =	vst v63  }
0xbe: {  	_ = 	snop  }
0xbf: {  	[tilespmem:s30], [sflag:$0x1] =	stream.indirect_vreg.gather [hbm4b:s4+s2], $0x80, v3, vm0, $0xb8;
	[tilespmem:$0x18080] =	vst v63  }
0xc0: {  	_ = 	snop  }
0xc1: {  	[tilespmem:s31], [sflag:$0x1] =	stream.indirect_vreg.gather [hbm4b:s5+s2], $0x80, v3, vm0, $0xb8;
	[tilespmem:$0x18080] =	vst v63  }
0xc2: {  	_ =	swait.ge [sflag:s1], $0x18000  }
0xc3: {  	p0 =	sne.s32 s6, $0x1;
	[sflag:s1] =	ssyncset.done $0x0  }
.Ltmp0:
0xc4: {  	s9 =	rddreg [dreg:$0x4];
	[sflag:s1] =	ssyncadd.s32 $0xFFFE8000;
	(pc) =	sbr.rel @p0 .LBB2_1-.Ltmp0, $4  }
0xc5: {  	[hbm4b:s9+s2] =	stream.linear.scatter [tilespmem:s8], [sflag:$0x2], $0x18000, $0x38;
	[tilespmem:$0x18080] =	vst v63  }
0xc6: {  	_ =	swait.ge [sflag:s7], $0x18000  }
0xc7: {  	[sflag:s7] =	ssyncset.done $0x0  }
0xc8: {  	s6 =	sadd.s32 $0xFFFFFFFF, s6;
	[sflag:s7] =	ssyncadd.s32 $0xFFFE8000  }
0xc9: {  	_ =	sfence.sel $0x180000  }
0xca: {  	[bflag:$0x0] =	sbarrier.arrive $0xFFFF  }
0xcb: {  	_ =	strace $0x9000004A  }
0xcc: {  	s0 =	stileid.u32;
	[bflag:$0x2] =	sbarrier.arrive $0xFFFF  }
0xcd: {  	p0 =	sne.s32 s0, $0x0;
	s0 =	rddreg [dreg:$0x2]  }
0xce: {  	s0 =	sadd.s32 @!p0 $0x100000, s0  }
0xcf: {  	[sflag:s0] =	ssyncadd.tile.s32 @!p0 $0x1;
	_ =	shalt  }
.Lfunc_end2:
_tile_overlayer_lowered:
.L_overlay_start_2:
0xd0: {  	(tag) =	ssettag $0x2  }
0xd1: {  	s0 =	rddreg [dreg:$0x0];
	s2 =	stileid.u32  }
0xd2: {  	s1 =	rddreg [dreg:$0x1];
	p0 =	sne.s32 s2, $0x0  }
0xd3: {  	s3 =	rddreg [dreg:$0x2];
	[bflag:$0x3] =	sbarrier.arrive $0xFFFF;
	s2 =	simm.s32 @!p0 $0x1C02  }
0xd4: {  	[timem:s3], [sflag:s2] =	dma.local @!p0 [hbm:s0], s1  }
0xd5: {  	s0 =	simm.s32 @!p0 $0x2  }
0xd6: {  	_ =	swait.ge @!p0 [sflag:s0], s1  }
0xd7: {  	s1 =	ssub.s32 @!p0 $0x0, s1;
	[sflag:s0] =	ssyncset.done @!p0 $0x0  }
0xd8: {  	[sflag:s0] =	ssyncadd.s32 @!p0 s1  }
0xd9: {  	[bflag:$0x3] =	sbarrier.arrive $0xFFFF  }
0xda: {  	_ =	shalt  }

</sc_bundles>
